<compile_context>
chip_gen: v7x
topology: tpu7x:2x2x1
jax: 0.10.2.dev20260603
libtpu: 0.0.44.dev20260713+nightly
codegen_flags: <defaults>
</compile_context>

<pallas_src>
import jax
import jax.numpy as jnp
from jax import lax
from jax.experimental import pallas as pl
from jax.experimental.pallas import tpu as pltpu
from jax.experimental.pallas import tpu_sc as plsc

NUM_LOC = 50000
NUM_PROTO = 16
EMB = 32
N_OUT = NUM_LOC + NUM_PROTO

NC = 2
NS = 16
NW = NC * NS

E_LL = 1600000
GROUP = 256
SUPER = 14
NSUPER = 14
GPT = SUPER * NSUPER
PAD_E = NW * GPT * GROUP
NBLK = NW * NSUPER
N_PAD = 50176
ROWS_PER_TILE = N_PAD // NS
ZROWS = 112


def _sc_edge_kernel(src_hbm, dst_hbm, w_hbm, loc_hbm, agg0_hbm, agg1_hbm,
                    src_v, dst_v, w_v, rows_a, rows_b, shared_agg,
                    gsem_a, gsem_b, ssem_a, ssem_b):
    c = lax.axis_index("c")
    s = lax.axis_index("s")
    wid = c * NS + s

    z16 = jnp.zeros((16,), jnp.float32)

    def zero_body(i, _):
        rows_a[i, 0:16] = z16
        rows_a[i, 16:32] = z16
        return 0

    lax.fori_loop(0, ZROWS, zero_body, 0)

    def zcopy_body(k, _):
        pltpu.sync_copy(rows_a.at[pl.ds(0, ZROWS)],
                        shared_agg.at[pl.ds(s * ROWS_PER_TILE + k * ZROWS, ZROWS)])
        return 0

    lax.fori_loop(0, ROWS_PER_TILE // ZROWS, zcopy_body, 0)
    plsc.subcore_barrier()

    rows = (rows_a, rows_b)
    gsem = (gsem_a, gsem_b)
    ssem = (ssem_a, ssem_b)

    def scale_group(jb, rbuf):
        def chunk(eb, _):
            wv = w_v[jb, pl.ds(eb * 16, 16)]
            for t in range(16):
                w = wv[t]
                e = eb * 16 + t
                rbuf[e, 0:16] = rbuf[e, 0:16] * w
                rbuf[e, 16:32] = rbuf[e, 16:32] * w
            return 0

        lax.fori_loop(0, GROUP // 16, chunk, 0)

    def super_body(sb, _):
        blk = wid * NSUPER + sb
        pltpu.sync_copy(src_hbm.at[blk], src_v)
        pltpu.sync_copy(dst_hbm.at[blk], dst_v)
        pltpu.sync_copy(w_hbm.at[blk], w_v)

        pltpu.async_copy(loc_hbm.at[src_v.at[0]], rows[0], gsem[0])

        def pair_body(p, _):
            for b in range(2):
                jb = p * 2 + b
                o = 1 - b
                pltpu.make_async_copy(loc_hbm.at[src_v.at[jb]],
                                      rows[b], gsem[b]).wait()

                @pl.when(jb + 1 < SUPER)
                def _():
                    @pl.when(jb >= 1)
                    def _():
                        pltpu.make_async_copy(
                            rows[o], shared_agg.at[dst_v.at[jb]], ssem[o]
                        ).wait()
                    pltpu.async_copy(loc_hbm.at[src_v.at[jb + 1]],
                                     rows[o], gsem[o])

                scale_group(jb, rows[b])
                pltpu.async_copy(rows[b], shared_agg.at[dst_v.at[jb]],
                                 ssem[b], add=True)
            return 0

        lax.fori_loop(0, SUPER // 2, pair_body, 0)
        pltpu.make_async_copy(rows[0], shared_agg.at[dst_v.at[0]],
                              ssem[0]).wait()
        pltpu.make_async_copy(rows[1], shared_agg.at[dst_v.at[0]],
                              ssem[1]).wait()
        return 0

    lax.fori_loop(0, NSUPER, super_body, 0)
    plsc.subcore_barrier()

    r0 = s * ROWS_PER_TILE

    @pl.when(c == 0)
    def _():
        pltpu.sync_copy(shared_agg.at[pl.ds(r0, ROWS_PER_TILE)],
                        agg0_hbm.at[pl.ds(r0, ROWS_PER_TILE)])

    @pl.when(c == 1)
    def _():
        pltpu.sync_copy(shared_agg.at[pl.ds(r0, ROWS_PER_TILE)],
                        agg1_hbm.at[pl.ds(r0, ROWS_PER_TILE)])


@jax.jit
def _sc_edge_call(src_g, dst_g, w_g, loc_emb):
    mesh = plsc.VectorSubcoreMesh(core_axis_name="c", subcore_axis_name="s")
    return pl.kernel(
        _sc_edge_kernel,
        out_type=[jax.ShapeDtypeStruct((N_PAD, EMB), jnp.float32),
                  jax.ShapeDtypeStruct((N_PAD, EMB), jnp.float32)],
        mesh=mesh,
        compiler_params=pltpu.CompilerParams(use_tc_tiling_on_sc=False),
        scratch_types=[
            pltpu.VMEM((SUPER, GROUP), jnp.int32),
            pltpu.VMEM((SUPER, GROUP), jnp.int32),
            pltpu.VMEM((SUPER, GROUP), jnp.float32),
            pltpu.VMEM((GROUP, EMB), jnp.float32),
            pltpu.VMEM((GROUP, EMB), jnp.float32),
            pltpu.VMEM_SHARED((N_PAD, EMB), jnp.float32),
            pltpu.SemaphoreType.DMA,
            pltpu.SemaphoreType.DMA,
            pltpu.SemaphoreType.DMA,
            pltpu.SemaphoreType.DMA,
        ],
    )(src_g, dst_g, w_g, loc_emb)


def _tc_body(a0_ref, a1_ref, w_ref, c_ref, o_ref):
    acc = a0_ref[...] + a1_ref[...]
    y = jnp.dot(acc, w_ref[...], preferred_element_type=jnp.float32)
    o_ref[...] = jnp.maximum(y, 0.0) + c_ref[0]


N_PACK = N_OUT // 4
BLK_P = 4168


@jax.jit
def _tc_call(agg0, agg1, W_bd, coupling):
    return pl.pallas_call(
        _tc_body,
        grid=(N_PACK // BLK_P,),
        in_specs=[
            pl.BlockSpec((BLK_P, 128), lambda i: (i, 0)),
            pl.BlockSpec((BLK_P, 128), lambda i: (i, 0)),
            pl.BlockSpec((128, 128), lambda i: (0, 0)),
            pl.BlockSpec(memory_space=pltpu.SMEM),
        ],
        out_specs=pl.BlockSpec((BLK_P, 128), lambda i: (i, 0)),
        out_shape=jax.ShapeDtypeStruct((N_PACK, 128), jnp.float32),
    )(agg0, agg1, W_bd, coupling)


def kernel(uid, loc_seq, time_seq, attention_mask, valid_len, lcst_score,
           ll_edge_index, ll_edge_weight, ul_edge_index, ul_edge_weight,
           loc_emb, time_emb, user_emb, user_nr_emb, proto_emb,
           W_user_q, W_proto_k, W_proto_q_sem, W_ul1, W_ul2, W_pl1):
    pad = PAD_E - E_LL
    src1 = jnp.pad(ll_edge_index[0].astype(jnp.int32) + 1, (0, pad))
    dst = jnp.pad(ll_edge_index[1].astype(jnp.int32), (0, pad))
    w = jnp.pad(ll_edge_weight, (0, pad))
    src_g = src1.reshape(NBLK, SUPER, GROUP)
    dst_g = dst.reshape(NBLK, SUPER, GROUP)
    w_g = w.reshape(NBLK, SUPER, GROUP)

    agg0, agg1 = _sc_edge_call(src_g, dst_g, w_g, loc_emb)

    coupling = jnp.mean(user_emb[uid]) + jnp.mean(time_emb[time_seq])
    W_bd = jax.scipy.linalg.block_diag(W_pl1, W_pl1, W_pl1, W_pl1)
    out_p = _tc_call(agg0.reshape(N_PAD // 4, 128),
                     agg1.reshape(N_PAD // 4, 128), W_bd,
                     coupling.reshape(1))
    return out_p.reshape(N_OUT, EMB)

# --- scband reference (transcript-rebuilt; emitter-appended) ---
"""Pipeline reference for scband-predictor-6545530159156 (READ-ONLY COPY).

The authoritative reference and input builder live on the scoring server;
editing this copy changes nothing except your own understanding.
"""

import jax, jax.numpy as jnp
import numpy as np

NUM_LOC = 50000
NUM_USER = 50000
NUM_PROTO = 16
EMB = 32
NUM_TIME = 48
B, L = 1024, 50
E_LL = 1600000
E_UL = 800000


def _gnn_layer(x, src, dst, w, W, n):
    # weighted message passing: gather src feats, scale by edge weight,
    # scatter-add into dst, then linear + relu (GNNEncoder layer)
    msg = x[src] * w[:, None]
    agg = jax.ops.segment_sum(msg, dst, num_segments=n)
    return jax.nn.relu(agg @ W)


def setup_inputs(seed: int = 0) -> dict:
    key = jax.random.key(seed)
    ks = jax.random.split(key, 24)
    s = 0.02
    inp = {}
    inp['uid'] = jax.random.randint(ks[0], (B,), 0, NUM_USER)
    inp['loc_seq'] = jax.random.randint(ks[1], (B, L), 0, NUM_LOC + 1)
    inp['time_seq'] = jax.random.randint(ks[2], (B, L), 0, NUM_TIME + 1)
    inp['attention_mask'] = jnp.ones((B, L), dtype=bool)
    inp['valid_len'] = jax.random.randint(ks[3], (B,), 1, L + 1)
    inp['lcst_score'] = jax.random.uniform(ks[4], (B,), jnp.float32)
    inp['ll_edge_index'] = jax.random.randint(ks[5], (2, E_LL), 0, NUM_LOC)
    inp['ll_edge_weight'] = jax.random.uniform(ks[6], (E_LL,), jnp.float32)
    inp['ul_edge_index'] = jax.random.randint(ks[7], (2, E_UL), 0, NUM_LOC + NUM_USER)
    inp['ul_edge_weight'] = jax.random.uniform(ks[8], (E_UL,), jnp.float32)
    # learned parameters
    loc_emb = jax.random.normal(ks[9], (NUM_LOC + 1, EMB), jnp.float32) * s
    inp['loc_emb'] = loc_emb.at[0].set(0.0)  # padding_idx=0
    time_emb = jax.random.normal(ks[10], (NUM_TIME + 1, EMB), jnp.float32) * s
    inp['time_emb'] = time_emb.at[0].set(0.0)
    inp['user_emb'] = jax.random.normal(ks[11], (NUM_USER, EMB), jnp.float32) * s
    inp['user_nr_emb'] = jax.random.normal(ks[12], (NUM_USER, EMB), jnp.float32) * s
    inp['proto_emb'] = jax.random.normal(ks[13], (NUM_PROTO, EMB), jnp.float32) * s
    inp['W_user_q'] = jax.random.normal(ks[14], (EMB, EMB), jnp.float32) * s
    inp['W_proto_k'] = jax.random.normal(ks[15], (EMB, EMB), jnp.float32) * s
    inp['W_proto_q_sem'] = jax.random.normal(ks[16], (EMB, EMB), jnp.float32) * s
    inp['W_ul1'] = jax.random.normal(ks[17], (EMB, EMB), jnp.float32) * s
    inp['W_ul2'] = jax.random.normal(ks[18], (EMB, EMB), jnp.float32) * s
    inp['W_pl1'] = jax.random.normal(ks[19], (EMB, EMB), jnp.float32) * s
    return inp


def reference(uid, loc_seq, time_seq, attention_mask, valid_len, lcst_score,
              ll_edge_index, ll_edge_weight, ul_edge_index, ul_edge_weight,
              loc_emb, time_emb, user_emb, user_nr_emb, proto_emb,
              W_user_q, W_proto_k, W_proto_q_sem, W_ul1, W_ul2, W_pl1):
    # embedding gathers (user / time sequence)
    user_e = user_emb[uid]
    time_e = time_emb[time_seq]
    # user -> prototype routing (top-1 hard assignment over experts)
    user_q = user_nr_emb @ W_user_q
    proto_k = proto_emb @ W_proto_k
    logits = (user_q @ proto_k.T) / (EMB ** 0.5)
    proto_attn_soft = jax.nn.softmax(logits, axis=-1)
    hard_index = jnp.argmax(proto_attn_soft, axis=-1)
    user_node_ids = jnp.arange(NUM_USER) + NUM_LOC
    proto_node_ids = jnp.arange(NUM_PROTO) + NUM_USER + NUM_LOC
    # bipartite graph: loc nodes, user nodes, proto nodes
    bi_nodes = jnp.concatenate([loc_emb[1:], user_nr_emb, proto_emb], axis=0)
    pu_src = proto_node_ids[hard_index]
    pu_w = proto_attn_soft[jnp.arange(NUM_USER), hard_index]
    src = jnp.concatenate([ul_edge_index[0], ll_edge_index[0], pu_src])
    dst = jnp.concatenate([ul_edge_index[1], ll_edge_index[1], user_node_ids])
    w = jnp.concatenate([ul_edge_weight, ll_edge_weight, pu_w])
    n_bi = NUM_LOC + NUM_USER + NUM_PROTO
    h = _gnn_layer(bi_nodes, src, dst, w, W_ul1, n_bi)
    h = _gnn_layer(h, src, dst, w, W_ul2, n_bi)
    bignn_proto = h[-NUM_PROTO:]
    bignn_loc = h[:NUM_LOC]
    proto_q = bignn_proto @ W_proto_q_sem
    proto_qn = proto_q / (jnp.linalg.norm(proto_q, axis=-1, keepdims=True) + 1e-12)
    loc_kn = bignn_loc / (jnp.linalg.norm(bignn_loc, axis=-1, keepdims=True) + 1e-12)
    score_semantic = proto_qn @ loc_kn.T  # [P, num_loc]
    # proto -> loc dense bipartite edges; masking w<=0 edges == zeroing their weight
    pl_src = jnp.repeat(jnp.arange(NUM_PROTO) + NUM_LOC, NUM_LOC)
    pl_dst = jnp.tile(jnp.arange(NUM_LOC), NUM_PROTO)
    flat = score_semantic.reshape(-1)
    pl_w = jnp.where(flat > 0, flat, 0.0)
    pl_nodes = jnp.concatenate([loc_emb[1:], proto_emb], axis=0)
    src2 = jnp.concatenate([pl_src, ll_edge_index[0]])
    dst2 = jnp.concatenate([pl_dst, ll_edge_index[1]])
    w2 = jnp.concatenate([pl_w, ll_edge_weight])
    plgnn = _gnn_layer(pl_nodes, src2, dst2, w2, W_pl1, NUM_LOC + NUM_PROTO)
    # scalar coupling so the sequence-embedding gathers contribute to the output
    coupling = jnp.mean(user_e) + jnp.mean(time_e)
    return plgnn + coupling

if __name__ == "__main__":
    import jax
    _d = setup_inputs()
    print(jax.jit(kernel)(*tuple(_d.values())))

</pallas_src>

<mosaic_0001>
#map = affine_map<(d0, d1) -> (0, 0, 0)>
#map1 = affine_map<(d0, d1) -> (0, 0)>
module attributes {stable_mosaic.version = 14 : i64} {
  func.func @_sc_edge_kernel(%arg0: i32, %arg1: i32, %arg2: memref<448x14x256xi32, #tpu.memory_space<hbm>>, %arg3: memref<448x14x256xi32, #tpu.memory_space<hbm>>, %arg4: memref<448x14x256xf32, #tpu.memory_space<hbm>>, %arg5: memref<50001x32xf32, #tpu.memory_space<hbm>>, %arg6: memref<50176x32xf32, #tpu.memory_space<hbm>>, %arg7: memref<50176x32xf32, #tpu.memory_space<hbm>>, %arg8: memref<14x256xi32, #tpu.memory_space<vmem>>, %arg9: memref<14x256xi32, #tpu.memory_space<vmem>>, %arg10: memref<14x256xf32, #tpu.memory_space<vmem>>, %arg11: memref<256x32xf32, #tpu.memory_space<vmem>>, %arg12: memref<256x32xf32, #tpu.memory_space<vmem>>, %arg13: memref<50176x32xf32, #tpu.memory_space<vmem_shared>>, %arg14: memref<!tpu.dma_semaphore, #tpu.memory_space<semaphore_mem>>, %arg15: memref<!tpu.dma_semaphore, #tpu.memory_space<semaphore_mem>>, %arg16: memref<!tpu.dma_semaphore, #tpu.memory_space<semaphore_mem>>, %arg17: memref<!tpu.dma_semaphore, #tpu.memory_space<semaphore_mem>>) attributes {dimension_semantics = [#tpu.dimension_semantics<core_parallel>, #tpu.dimension_semantics<subcore_parallel>], iteration_bounds = array<i64: 2, 16>, scalar_prefetch = 0 : i64, scratch_operands = 10 : i64, tpu.core_type = #tpu.core_type<sc_vector_subcore>, window_params = [{transform_indices = #map}, {transform_indices = #map}, {transform_indices = #map}, {transform_indices = #map1}, {transform_indices = #map1}, {transform_indices = #map1}]} {
    %mul3A = arith.constant 16 : i32
    %mul3A_0 = arith.muli %arg0, %mul3A : i32
    %add3A = arith.addi %mul3A_0, %arg1 : i32
    %broadcast_in_dim3A = arith.constant 0.000000e+00 : f32
    %broadcast_in_dim3A_1 = vector.broadcast %broadcast_in_dim3A : f32 to vector<16xf32>
    %scan3A = arith.constant 0 : i32
    %scan3A_2 = arith.constant 0 : i32
    %scan3A_3 = arith.constant 112 : i32
    %scan3A_4 = arith.addi %scan3A_2, %scan3A_3 : i32
    %scan3A_5 = arith.constant 1 : i32
    %scan3A_6 = scf.for %scan3A_32 = %scan3A_2 to %scan3A_4 step %scan3A_5 iter_args(%scan3A_33 = %scan3A) -> (i32)  : i32 {
      %swap3A = arith.index_cast %scan3A_32 : i32 to index
      %swap3A_34 = arith.constant 0 : index
      %swap3A_35 = tpu.vector_load %arg11[%swap3A, %swap3A_34] {strides = array<i32>} : memref<256x32xf32, #tpu.memory_space<vmem>>, vector<1x16xf32>,
      %swap3A_36 = vector.shape_cast %swap3A_35 : vector<1x16xf32> to vector<16xf32>
      %swap3A_37 = vector.shape_cast %broadcast_in_dim3A_1 : vector<16xf32> to vector<1x16xf32>
      tpu.vector_store %arg11[%swap3A, %swap3A_34], %swap3A_37 {strides = array<i32>} : memref<256x32xf32, #tpu.memory_space<vmem>>, vector<1x16xf32>,
      %swap3A_38 = arith.index_cast %scan3A_32 : i32 to index
      %swap3A_39 = arith.constant 16 : index
      %swap3A_40 = tpu.vector_load %arg11[%swap3A_38, %swap3A_39] {strides = array<i32>} : memref<256x32xf32, #tpu.memory_space<vmem>>, vector<1x16xf32>,
      %swap3A_41 = vector.shape_cast %swap3A_40 : vector<1x16xf32> to vector<16xf32>
      %swap3A_42 = vector.shape_cast %broadcast_in_dim3A_1 : vector<16xf32> to vector<1x16xf32>
      tpu.vector_store %arg11[%swap3A_38, %swap3A_39], %swap3A_42 {strides = array<i32>} : memref<256x32xf32, #tpu.memory_space<vmem>>, vector<1x16xf32>,
      %scan3A_43 = arith.constant 0 : i32
      scf.yield %scan3A_43 : i32
    }
    %scan3A_7 = arith.constant 112 : i32
    %scan3A_8 = arith.constant 0 : i32
    %scan3A_9 = arith.constant 0 : i32
    %scan3A_10 = arith.constant 28 : i32
    %scan3A_11 = arith.addi %scan3A_9, %scan3A_10 : i32
    %scan3A_12 = arith.constant 1 : i32
    %scan3A_13 = scf.for %scan3A_32 = %scan3A_9 to %scan3A_11 step %scan3A_12 iter_args(%scan3A_33 = %scan3A_8) -> (i32)  : i32 {
      %mul3A_34 = arith.constant 3136 : i32
      %mul3A_35 = arith.muli %arg1, %mul3A_34 : i32
      %mul3A_36 = arith.constant 112 : i32
      %mul3A_37 = arith.muli %scan3A_32, %mul3A_36 : i32
      %add3A_38 = arith.addi %mul3A_35, %mul3A_37 : i32
      "tpu.region"() ({
        %run_scoped3A = tpu.sem_alloc : memref<!tpu.dma_semaphore, #tpu.memory_space<semaphore_mem>>
        %dma_start3A = arith.constant 0 : i32
        %dma_start3A_40 = arith.constant 0 : i32
        %dma_start3A_41 = tpu.memref_slice %arg11[%dma_start3A, %dma_start3A_40] : memref<256x32xf32, #tpu.memory_space<vmem>> -> memref<112x32xf32, #tpu.memory_space<vmem>>
        %dma_start3A_42 = arith.constant 0 : i32
        %dma_start3A_43 = tpu.memref_slice %arg13[%add3A_38, %dma_start3A_42] : memref<50176x32xf32, #tpu.memory_space<vmem_shared>> -> memref<112x32xf32, #tpu.memory_space<vmem_shared>>
        %dma_start3A_44 = arith.constant 0 : i32
        %dma_start3A_45 = tpu.memref_slice %arg13[%add3A_38, %dma_start3A_44] : memref<50176x32xf32, #tpu.memory_space<vmem_shared>> -> memref<112x32xf32, #tpu.memory_space<vmem_shared>>
        %dma_start3A_46 = arith.constant 0 : i32
        %dma_start3A_47 = arith.constant 0 : i32
        %dma_start3A_48 = tpu.memref_slice %arg11[%dma_start3A_46, %dma_start3A_47] : memref<256x32xf32, #tpu.memory_space<vmem>> -> memref<112x32xf32, #tpu.memory_space<vmem>>
        tpu.enqueue_dma source(%dma_start3A_48 : memref<112x32xf32, #tpu.memory_space<vmem>>) target(%dma_start3A_45 : memref<112x32xf32, #tpu.memory_space<vmem_shared>>) target_semaphore(%run_scoped3A : memref<!tpu.dma_semaphore, #tpu.memory_space<semaphore_mem>>)
        %dma_wait3A = arith.constant 0 : i32
        %dma_wait3A_49 = arith.constant 0 : i32
        %dma_wait3A_50 = tpu.memref_slice %arg11[%dma_wait3A, %dma_wait3A_49] : memref<256x32xf32, #tpu.memory_space<vmem>> -> memref<112x32xf32, #tpu.memory_space<vmem>>
        %dma_wait3A_51 = arith.constant 0 : i32
        %dma_wait3A_52 = tpu.memref_slice %arg13[%add3A_38, %dma_wait3A_51] : memref<50176x32xf32, #tpu.memory_space<vmem_shared>> -> memref<112x32xf32, #tpu.memory_space<vmem_shared>>
        %dma_wait3A_53 = arith.constant 0 : i32
        %dma_wait3A_54 = tpu.memref_slice %arg13[%add3A_38, %dma_wait3A_53] : memref<50176x32xf32, #tpu.memory_space<vmem_shared>> -> memref<112x32xf32, #tpu.memory_space<vmem_shared>>
        %dma_wait3A_55 = arith.constant 0 : i32
        %dma_wait3A_56 = arith.constant 0 : i32
        %dma_wait3A_57 = tpu.memref_slice %arg11[%dma_wait3A_55, %dma_wait3A_56] : memref<256x32xf32, #tpu.memory_space<vmem>> -> memref<112x32xf32, #tpu.memory_space<vmem>>
        tpu.wait_dma2 semaphore(%run_scoped3A : memref<!tpu.dma_semaphore, #tpu.memory_space<semaphore_mem>>) src(%dma_wait3A_57 : memref<112x32xf32, #tpu.memory_space<vmem>>) dst(%dma_wait3A_54 : memref<112x32xf32, #tpu.memory_space<vmem_shared>>)
        tpu.yield
      }) : () -> ()
      %scan3A_39 = arith.constant 0 : i32
      scf.yield %scan3A_39 : i32
    }
    %scan3A_14 = arith.constant 28 : i32
    %barrier3A = arith.constant 0 : index
    tpu.barrier barrier_id(%barrier3A)
    %scan3A_15 = arith.constant 0 : i32
    %scan3A_16 = arith.constant 0 : i32
    %scan3A_17 = arith.constant 14 : i32
    %scan3A_18 = arith.addi %scan3A_16, %scan3A_17 : i32
    %scan3A_19 = arith.constant 1 : i32
    %scan3A_20 = scf.for %scan3A_32 = %scan3A_16 to %scan3A_18 step %scan3A_19 iter_args(%scan3A_33 = %scan3A_15) -> (i32)  : i32 {
      %mul3A_34 = arith.constant 14 : i32
      %mul3A_35 = arith.muli %add3A, %mul3A_34 : i32
      %add3A_36 = arith.addi %mul3A_35, %scan3A_32 : i32
      "tpu.region"() ({
        %run_scoped3A = tpu.sem_alloc : memref<!tpu.dma_semaphore, #tpu.memory_space<semaphore_mem>>
        %dma_start3A_64 = arith.constant 0 : i32
        %dma_start3A_65 = arith.constant 0 : i32
        %dma_start3A_66 = tpu.memref_slice %arg2[%add3A_36, %dma_start3A_64, %dma_start3A_65] : memref<448x14x256xi32, #tpu.memory_space<hbm>> -> memref<1x14x256xi32, #tpu.memory_space<hbm>>
        %dma_start3A_67 = tpu.memref_squeeze %dma_start3A_66 : memref<1x14x256xi32, #tpu.memory_space<hbm>> -> memref<14x256xi32, #tpu.memory_space<hbm>>
        %dma_start3A_68 = arith.constant 0 : i32
        %dma_start3A_69 = arith.constant 0 : i32
        %dma_start3A_70 = tpu.memref_slice %arg2[%add3A_36, %dma_start3A_68, %dma_start3A_69] : memref<448x14x256xi32, #tpu.memory_space<hbm>> -> memref<1x14x256xi32, #tpu.memory_space<hbm>>
        %dma_start3A_71 = tpu.memref_squeeze %dma_start3A_70 : memref<1x14x256xi32, #tpu.memory_space<hbm>> -> memref<14x256xi32, #tpu.memory_space<hbm>>
        tpu.enqueue_dma source(%dma_start3A_71 : memref<14x256xi32, #tpu.memory_space<hbm>>) target(%arg8 : memref<14x256xi32, #tpu.memory_space<vmem>>) target_semaphore(%run_scoped3A : memref<!tpu.dma_semaphore, #tpu.memory_space<semaphore_mem>>)
        %dma_wait3A_72 = arith.constant 0 : i32
        %dma_wait3A_73 = arith.constant 0 : i32
        %dma_wait3A_74 = tpu.memref_slice %arg2[%add3A_36, %dma_wait3A_72, %dma_wait3A_73] : memref<448x14x256xi32, #tpu.memory_space<hbm>> -> memref<1x14x256xi32, #tpu.memory_space<hbm>>
        %dma_wait3A_75 = tpu.memref_squeeze %dma_wait3A_74 : memref<1x14x256xi32, #tpu.memory_space<hbm>> -> memref<14x256xi32, #tpu.memory_space<hbm>>
        %dma_wait3A_76 = arith.constant 0 : i32
        %dma_wait3A_77 = arith.constant 0 : i32
        %dma_wait3A_78 = tpu.memref_slice %arg2[%add3A_36, %dma_wait3A_76, %dma_wait3A_77] : memref<448x14x256xi32, #tpu.memory_space<hbm>> -> memref<1x14x256xi32, #tpu.memory_space<hbm>>
        %dma_wait3A_79 = tpu.memref_squeeze %dma_wait3A_78 : memref<1x14x256xi32, #tpu.memory_space<hbm>> -> memref<14x256xi32, #tpu.memory_space<hbm>>
        tpu.wait_dma2 semaphore(%run_scoped3A : memref<!tpu.dma_semaphore, #tpu.memory_space<semaphore_mem>>) src(%dma_wait3A_79 : memref<14x256xi32, #tpu.memory_space<hbm>>) dst(%arg8 : memref<14x256xi32, #tpu.memory_space<vmem>>)
        tpu.yield
      }) : () -> ()
      "tpu.region"() ({
        %run_scoped3A = tpu.sem_alloc : memref<!tpu.dma_semaphore, #tpu.memory_space<semaphore_mem>>
        %dma_start3A_64 = arith.constant 0 : i32
        %dma_start3A_65 = arith.constant 0 : i32
        %dma_start3A_66 = tpu.memref_slice %arg3[%add3A_36, %dma_start3A_64, %dma_start3A_65] : memref<448x14x256xi32, #tpu.memory_space<hbm>> -> memref<1x14x256xi32, #tpu.memory_space<hbm>>
        %dma_start3A_67 = tpu.memref_squeeze %dma_start3A_66 : memref<1x14x256xi32, #tpu.memory_space<hbm>> -> memref<14x256xi32, #tpu.memory_space<hbm>>
        %dma_start3A_68 = arith.constant 0 : i32
        %dma_start3A_69 = arith.constant 0 : i32
        %dma_start3A_70 = tpu.memref_slice %arg3[%add3A_36, %dma_start3A_68, %dma_start3A_69] : memref<448x14x256xi32, #tpu.memory_space<hbm>> -> memref<1x14x256xi32, #tpu.memory_space<hbm>>
        %dma_start3A_71 = tpu.memref_squeeze %dma_start3A_70 : memref<1x14x256xi32, #tpu.memory_space<hbm>> -> memref<14x256xi32, #tpu.memory_space<hbm>>
        tpu.enqueue_dma source(%dma_start3A_71 : memref<14x256xi32, #tpu.memory_space<hbm>>) target(%arg9 : memref<14x256xi32, #tpu.memory_space<vmem>>) target_semaphore(%run_scoped3A : memref<!tpu.dma_semaphore, #tpu.memory_space<semaphore_mem>>)
        %dma_wait3A_72 = arith.constant 0 : i32
        %dma_wait3A_73 = arith.constant 0 : i32
        %dma_wait3A_74 = tpu.memref_slice %arg3[%add3A_36, %dma_wait3A_72, %dma_wait3A_73] : memref<448x14x256xi32, #tpu.memory_space<hbm>> -> memref<1x14x256xi32, #tpu.memory_space<hbm>>
        %dma_wait3A_75 = tpu.memref_squeeze %dma_wait3A_74 : memref<1x14x256xi32, #tpu.memory_space<hbm>> -> memref<14x256xi32, #tpu.memory_space<hbm>>
        %dma_wait3A_76 = arith.constant 0 : i32
        %dma_wait3A_77 = arith.constant 0 : i32
        %dma_wait3A_78 = tpu.memref_slice %arg3[%add3A_36, %dma_wait3A_76, %dma_wait3A_77] : memref<448x14x256xi32, #tpu.memory_space<hbm>> -> memref<1x14x256xi32, #tpu.memory_space<hbm>>
        %dma_wait3A_79 = tpu.memref_squeeze %dma_wait3A_78 : memref<1x14x256xi32, #tpu.memory_space<hbm>> -> memref<14x256xi32, #tpu.memory_space<hbm>>
        tpu.wait_dma2 semaphore(%run_scoped3A : memref<!tpu.dma_semaphore, #tpu.memory_space<semaphore_mem>>) src(%dma_wait3A_79 : memref<14x256xi32, #tpu.memory_space<hbm>>) dst(%arg9 : memref<14x256xi32, #tpu.memory_space<vmem>>)
        tpu.yield
      }) : () -> ()
      "tpu.region"() ({
        %run_scoped3A = tpu.sem_alloc : memref<!tpu.dma_semaphore, #tpu.memory_space<semaphore_mem>>
        %dma_start3A_64 = arith.constant 0 : i32
        %dma_start3A_65 = arith.constant 0 : i32
        %dma_start3A_66 = tpu.memref_slice %arg4[%add3A_36, %dma_start3A_64, %dma_start3A_65] : memref<448x14x256xf32, #tpu.memory_space<hbm>> -> memref<1x14x256xf32, #tpu.memory_space<hbm>>
        %dma_start3A_67 = tpu.memref_squeeze %dma_start3A_66 : memref<1x14x256xf32, #tpu.memory_space<hbm>> -> memref<14x256xf32, #tpu.memory_space<hbm>>
        %dma_start3A_68 = arith.constant 0 : i32
        %dma_start3A_69 = arith.constant 0 : i32
        %dma_start3A_70 = tpu.memref_slice %arg4[%add3A_36, %dma_start3A_68, %dma_start3A_69] : memref<448x14x256xf32, #tpu.memory_space<hbm>> -> memref<1x14x256xf32, #tpu.memory_space<hbm>>
        %dma_start3A_71 = tpu.memref_squeeze %dma_start3A_70 : memref<1x14x256xf32, #tpu.memory_space<hbm>> -> memref<14x256xf32, #tpu.memory_space<hbm>>
        tpu.enqueue_dma source(%dma_start3A_71 : memref<14x256xf32, #tpu.memory_space<hbm>>) target(%arg10 : memref<14x256xf32, #tpu.memory_space<vmem>>) target_semaphore(%run_scoped3A : memref<!tpu.dma_semaphore, #tpu.memory_space<semaphore_mem>>)
        %dma_wait3A_72 = arith.constant 0 : i32
        %dma_wait3A_73 = arith.constant 0 : i32
        %dma_wait3A_74 = tpu.memref_slice %arg4[%add3A_36, %dma_wait3A_72, %dma_wait3A_73] : memref<448x14x256xf32, #tpu.memory_space<hbm>> -> memref<1x14x256xf32, #tpu.memory_space<hbm>>
        %dma_wait3A_75 = tpu.memref_squeeze %dma_wait3A_74 : memref<1x14x256xf32, #tpu.memory_space<hbm>> -> memref<14x256xf32, #tpu.memory_space<hbm>>
        %dma_wait3A_76 = arith.constant 0 : i32
        %dma_wait3A_77 = arith.constant 0 : i32
        %dma_wait3A_78 = tpu.memref_slice %arg4[%add3A_36, %dma_wait3A_76, %dma_wait3A_77] : memref<448x14x256xf32, #tpu.memory_space<hbm>> -> memref<1x14x256xf32, #tpu.memory_space<hbm>>
        %dma_wait3A_79 = tpu.memref_squeeze %dma_wait3A_78 : memref<1x14x256xf32, #tpu.memory_space<hbm>> -> memref<14x256xf32, #tpu.memory_space<hbm>>
        tpu.wait_dma2 semaphore(%run_scoped3A : memref<!tpu.dma_semaphore, #tpu.memory_space<semaphore_mem>>) src(%dma_wait3A_79 : memref<14x256xf32, #tpu.memory_space<hbm>>) dst(%arg10 : memref<14x256xf32, #tpu.memory_space<vmem>>)
        tpu.yield
      }) : () -> ()
      %dma_start3A = arith.constant 0 : i32
      %dma_start3A_37 = arith.constant 0 : i32
      %dma_start3A_38 = tpu.memref_slice %arg8[%dma_start3A, %dma_start3A_37] : memref<14x256xi32, #tpu.memory_space<vmem>> -> memref<1x256xi32, #tpu.memory_space<vmem>>
      %dma_start3A_39 = tpu.memref_squeeze %dma_start3A_38 : memref<1x256xi32, #tpu.memory_space<vmem>> -> memref<256xi32, #tpu.memory_space<vmem>>
      %dma_start3A_40 = arith.constant 0 : i32
      %dma_start3A_41 = arith.constant 0 : i32
      %dma_start3A_42 = tpu.memref_slice %arg5[%dma_start3A_40, %dma_start3A_41] : memref<50001x32xf32, #tpu.memory_space<hbm>> -> memref<50001x32xf32, #tpu.memory_space<hbm>>
      tpu.enqueue_indirect_dma source(%dma_start3A_42 : memref<50001x32xf32, #tpu.memory_space<hbm>>) target(%arg11 : memref<256x32xf32, #tpu.memory_space<vmem>>) offsets(%dma_start3A_39 : memref<256xi32, #tpu.memory_space<vmem>>) semaphore(%arg14 : memref<!tpu.dma_semaphore, #tpu.memory_space<semaphore_mem>>)
      %scan3A_43 = arith.constant 0 : i32
      %scan3A_44 = arith.constant 0 : i32
      %scan3A_45 = arith.constant 7 : i32
      %scan3A_46 = arith.addi %scan3A_44, %scan3A_45 : i32
      %scan3A_47 = arith.constant 1 : i32
      %scan3A_48 = scf.for %scan3A_64 = %scan3A_44 to %scan3A_46 step %scan3A_47 iter_args(%scan3A_65 = %scan3A_43) -> (i32)  : i32 {
        %mul3A_66 = arith.constant 2 : i32
        %mul3A_67 = arith.muli %scan3A_64, %mul3A_66 : i32
        %add3A_68 = arith.constant 0 : i32
        %add3A_69 = arith.addi %mul3A_67, %add3A_68 : i32
        %dma_wait3A_70 = arith.constant 0 : i32
        %dma_wait3A_71 = tpu.memref_slice %arg8[%add3A_69, %dma_wait3A_70] : memref<14x256xi32, #tpu.memory_space<vmem>> -> memref<1x256xi32, #tpu.memory_space<vmem>>
        %dma_wait3A_72 = tpu.memref_squeeze %dma_wait3A_71 : memref<1x256xi32, #tpu.memory_space<vmem>> -> memref<256xi32, #tpu.memory_space<vmem>>
        %dma_wait3A_73 = arith.constant 0 : i32
        %dma_wait3A_74 = arith.constant 0 : i32
        %dma_wait3A_75 = tpu.memref_slice %arg5[%dma_wait3A_73, %dma_wait3A_74] : memref<50001x32xf32, #tpu.memory_space<hbm>> -> memref<50001x32xf32, #tpu.memory_space<hbm>>
        tpu.wait_indirect_dma semaphore(%arg14 : memref<!tpu.dma_semaphore, #tpu.memory_space<semaphore_mem>>) src(%dma_wait3A_75 : memref<50001x32xf32, #tpu.memory_space<hbm>>) dst(%arg11 : memref<256x32xf32, #tpu.memory_space<vmem>>)
        %add3A_76 = arith.constant 1 : i32
        %add3A_77 = arith.addi %add3A_69, %add3A_76 : i32
        %lt3A = arith.constant 14 : i32
        %lt3A_78 = arith.cmpi slt, %add3A_77, %lt3A : i32
        %convert_element_type3A_79 = arith.extui %lt3A_78 : i1 to i32
        %cond3A_80 = arith.constant 0 : i32
        %cond3A_81 = arith.cmpi ne, %convert_element_type3A_79, %cond3A_80 : i32
        scf.if %cond3A_81 {
          %ge3A = arith.constant 1 : i32
          %ge3A_126 = arith.cmpi sge, %add3A_69, %ge3A : i32
          %convert_element_type3A_127 = arith.extui %ge3A_126 : i1 to i32
          %cond3A_128 = arith.constant 0 : i32
          %cond3A_129 = arith.cmpi ne, %convert_element_type3A_127, %cond3A_128 : i32
          scf.if %cond3A_129 {
            %dma_wait3A_138 = arith.constant 0 : i32
            %dma_wait3A_139 = tpu.memref_slice %arg9[%add3A_69, %dma_wait3A_138] : memref<14x256xi32, #tpu.memory_space<vmem>> -> memref<1x256xi32, #tpu.memory_space<vmem>>
            %dma_wait3A_140 = tpu.memref_squeeze %dma_wait3A_139 : memref<1x256xi32, #tpu.memory_space<vmem>> -> memref<256xi32, #tpu.memory_space<vmem>>
            %dma_wait3A_141 = arith.constant 0 : i32
            %dma_wait3A_142 = arith.constant 0 : i32
            %dma_wait3A_143 = tpu.memref_slice %arg13[%dma_wait3A_141, %dma_wait3A_142] : memref<50176x32xf32, #tpu.memory_space<vmem_shared>> -> memref<50176x32xf32, #tpu.memory_space<vmem_shared>>
            tpu.wait_indirect_dma semaphore(%arg17 : memref<!tpu.dma_semaphore, #tpu.memory_space<semaphore_mem>>) src(%arg12 : memref<256x32xf32, #tpu.memory_space<vmem>>) dst(%dma_wait3A_143 : memref<50176x32xf32, #tpu.memory_space<vmem_shared>>)
          } else {
          }
          %add3A_130 = arith.constant 1 : i32
          %add3A_131 = arith.addi %add3A_69, %add3A_130 : i32
          %dma_start3A_132 = arith.constant 0 : i32
          %dma_start3A_133 = tpu.memref_slice %arg8[%add3A_131, %dma_start3A_132] : memref<14x256xi32, #tpu.memory_space<vmem>> -> memref<1x256xi32, #tpu.memory_space<vmem>>
          %dma_start3A_134 = tpu.memref_squeeze %dma_start3A_133 : memref<1x256xi32, #tpu.memory_space<vmem>> -> memref<256xi32, #tpu.memory_space<vmem>>
          %dma_start3A_135 = arith.constant 0 : i32
          %dma_start3A_136 = arith.constant 0 : i32
          %dma_start3A_137 = tpu.memref_slice %arg5[%dma_start3A_135, %dma_start3A_136] : memref<50001x32xf32, #tpu.memory_space<hbm>> -> memref<50001x32xf32, #tpu.memory_space<hbm>>
          tpu.enqueue_indirect_dma source(%dma_start3A_137 : memref<50001x32xf32, #tpu.memory_space<hbm>>) target(%arg12 : memref<256x32xf32, #tpu.memory_space<vmem>>) offsets(%dma_start3A_134 : memref<256xi32, #tpu.memory_space<vmem>>) semaphore(%arg15 : memref<!tpu.dma_semaphore, #tpu.memory_space<semaphore_mem>>)
        } else {
        }
        %scan3A_82 = arith.constant 0 : i32
        %scan3A_83 = arith.constant 0 : i32
        %scan3A_84 = arith.constant 16 : i32
        %scan3A_85 = arith.addi %scan3A_83, %scan3A_84 : i32
        %scan3A_86 = arith.constant 1 : i32
        %scan3A_87 = scf.for %scan3A_126 = %scan3A_83 to %scan3A_85 step %scan3A_86 iter_args(%scan3A_127 = %scan3A_82) -> (i32)  : i32 {
          %mul3A_128 = arith.constant 16 : i32
          %mul3A_129 = arith.muli %scan3A_126, %mul3A_128 : i32
          %get3A = arith.index_cast %add3A_69 : i32 to index
          %get3A_130 = arith.index_cast %mul3A_129 : i32 to index
          %get3A_131 = tpu.vector_load %arg10[%get3A, %get3A_130] {strides = array<i32>} : memref<14x256xf32, #tpu.memory_space<vmem>>, vector<1x16xf32>,
          %get3A_132 = vector.shape_cast %get3A_131 : vector<1x16xf32> to vector<16xf32>
          %slice3A = vector.extract_strided_slice %get3A_132 {offsets = [0], sizes = [1], strides = [1]} : vector<16xf32> to vector<1xf32>
          %squeeze3A = vector.extract %slice3A[0] : f32 from vector<1xf32>
          %mul3A_133 = arith.constant 16 : i32
          %mul3A_134 = arith.muli %scan3A_126, %mul3A_133 : i32
          %add3A_135 = arith.constant 0 : i32
          %add3A_136 = arith.addi %mul3A_134, %add3A_135 : i32
          %get3A_137 = arith.index_cast %add3A_136 : i32 to index
          %get3A_138 = arith.constant 0 : index
          %get3A_139 = tpu.vector_load %arg11[%get3A_137, %get3A_138] {strides = array<i32>} : memref<256x32xf32, #tpu.memory_space<vmem>>, vector<1x16xf32>,
          %get3A_140 = vector.shape_cast %get3A_139 : vector<1x16xf32> to vector<16xf32>
          %mul3A_141 = vector.broadcast %squeeze3A : f32 to vector<16xf32>
          %mul3A_142 = arith.mulf %get3A_140, %mul3A_141 : vector<16xf32>
          %swap3A = arith.index_cast %add3A_136 : i32 to index
          %swap3A_143 = arith.constant 0 : index
          %swap3A_144 = tpu.vector_load %arg11[%swap3A, %swap3A_143] {strides = array<i32>} : memref<256x32xf32, #tpu.memory_space<vmem>>, vector<1x16xf32>,
          %swap3A_145 = vector.shape_cast %swap3A_144 : vector<1x16xf32> to vector<16xf32>
          %swap3A_146 = vector.shape_cast %mul3A_142 : vector<16xf32> to vector<1x16xf32>
          tpu.vector_store %arg11[%swap3A, %swap3A_143], %swap3A_146 {strides = array<i32>} : memref<256x32xf32, #tpu.memory_space<vmem>>, vector<1x16xf32>,
          %get3A_147 = arith.index_cast %add3A_136 : i32 to index
          %get3A_148 = arith.constant 16 : index
          %get3A_149 = tpu.vector_load %arg11[%get3A_147, %get3A_148] {strides = array<i32>} : memref<256x32xf32, #tpu.memory_space<vmem>>, vector<1x16xf32>,
          %get3A_150 = vector.shape_cast %get3A_149 : vector<1x16xf32> to vector<16xf32>
          %mul3A_151 = vector.broadcast %squeeze3A : f32 to vector<16xf32>
          %mul3A_152 = arith.mulf %get3A_150, %mul3A_151 : vector<16xf32>
          %swap3A_153 = arith.index_cast %add3A_136 : i32 to index
          %swap3A_154 = arith.constant 16 : index
          %swap3A_155 = tpu.vector_load %arg11[%swap3A_153, %swap3A_154] {strides = array<i32>} : memref<256x32xf32, #tpu.memory_space<vmem>>, vector<1x16xf32>,
          %swap3A_156 = vector.shape_cast %swap3A_155 : vector<1x16xf32> to vector<16xf32>
          %swap3A_157 = vector.shape_cast %mul3A_152 : vector<16xf32> to vector<1x16xf32>
          tpu.vector_store %arg11[%swap3A_153, %swap3A_154], %swap3A_157 {strides = array<i32>} : memref<256x32xf32, #tpu.memory_space<vmem>>, vector<1x16xf32>,
          %slice3A_158 = vector.extract_strided_slice %get3A_132 {offsets = [1], sizes = [1], strides = [1]} : vector<16xf32> to vector<1xf32>
          %squeeze3A_159 = vector.extract %slice3A_158[0] : f32 from vector<1xf32>
          %mul3A_160 = arith.constant 16 : i32
          %mul3A_161 = arith.muli %scan3A_126, %mul3A_160 : i32
          %add3A_162 = arith.constant 1 : i32
          %add3A_163 = arith.addi %mul3A_161, %add3A_162 : i32
          %get3A_164 = arith.index_cast %add3A_163 : i32 to index
          %get3A_165 = arith.constant 0 : index
          %get3A_166 = tpu.vector_load %arg11[%get3A_164, %get3A_165] {strides = array<i32>} : memref<256x32xf32, #tpu.memory_space<vmem>>, vector<1x16xf32>,
          %get3A_167 = vector.shape_cast %get3A_166 : vector<1x16xf32> to vector<16xf32>
          %mul3A_168 = vector.broadcast %squeeze3A_159 : f32 to vector<16xf32>
          %mul3A_169 = arith.mulf %get3A_167, %mul3A_168 : vector<16xf32>
          %swap3A_170 = arith.index_cast %add3A_163 : i32 to index
          %swap3A_171 = arith.constant 0 : index
          %swap3A_172 = tpu.vector_load %arg11[%swap3A_170, %swap3A_171] {strides = array<i32>} : memref<256x32xf32, #tpu.memory_space<vmem>>, vector<1x16xf32>,
          %swap3A_173 = vector.shape_cast %swap3A_172 : vector<1x16xf32> to vector<16xf32>
          %swap3A_174 = vector.shape_cast %mul3A_169 : vector<16xf32> to vector<1x16xf32>
          tpu.vector_store %arg11[%swap3A_170, %swap3A_171], %swap3A_174 {strides = array<i32>} : memref<256x32xf32, #tpu.memory_space<vmem>>, vector<1x16xf32>,
          %get3A_175 = arith.index_cast %add3A_163 : i32 to index
          %get3A_176 = arith.constant 16 : index
          %get3A_177 = tpu.vector_load %arg11[%get3A_175, %get3A_176] {strides = array<i32>} : memref<256x32xf32, #tpu.memory_space<vmem>>, vector<1x16xf32>,
          %get3A_178 = vector.shape_cast %get3A_177 : vector<1x16xf32> to vector<16xf32>
          %mul3A_179 = vector.broadcast %squeeze3A_159 : f32 to vector<16xf32>
          %mul3A_180 = arith.mulf %get3A_178, %mul3A_179 : vector<16xf32>
          %swap3A_181 = arith.index_cast %add3A_163 : i32 to index
          %swap3A_182 = arith.constant 16 : index
          %swap3A_183 = tpu.vector_load %arg11[%swap3A_181, %swap3A_182] {strides = array<i32>} : memref<256x32xf32, #tpu.memory_space<vmem>>, vector<1x16xf32>,
          %swap3A_184 = vector.shape_cast %swap3A_183 : vector<1x16xf32> to vector<16xf32>
          %swap3A_185 = vector.shape_cast %mul3A_180 : vector<16xf32> to vector<1x16xf32>
          tpu.vector_store %arg11[%swap3A_181, %swap3A_182], %swap3A_185 {strides = array<i32>} : memref<256x32xf32, #tpu.memory_space<vmem>>, vector<1x16xf32>,
          %slice3A_186 = vector.extract_strided_slice %get3A_132 {offsets = [2], sizes = [1], strides = [1]} : vector<16xf32> to vector<1xf32>
          %squeeze3A_187 = vector.extract %slice3A_186[0] : f32 from vector<1xf32>
          %mul3A_188 = arith.constant 16 : i32
          %mul3A_189 = arith.muli %scan3A_126, %mul3A_188 : i32
          %add3A_190 = arith.constant 2 : i32
          %add3A_191 = arith.addi %mul3A_189, %add3A_190 : i32
          %get3A_192 = arith.index_cast %add3A_191 : i32 to index
          %get3A_193 = arith.constant 0 : index
          %get3A_194 = tpu.vector_load %arg11[%get3A_192, %get3A_193] {strides = array<i32>} : memref<256x32xf32, #tpu.memory_space<vmem>>, vector<1x16xf32>,
          %get3A_195 = vector.shape_cast %get3A_194 : vector<1x16xf32> to vector<16xf32>
          %mul3A_196 = vector.broadcast %squeeze3A_187 : f32 to vector<16xf32>
          %mul3A_197 = arith.mulf %get3A_195, %mul3A_196 : vector<16xf32>
          %swap3A_198 = arith.index_cast %add3A_191 : i32 to index
          %swap3A_199 = arith.constant 0 : index
          %swap3A_200 = tpu.vector_load %arg11[%swap3A_198, %swap3A_199] {strides = array<i32>} : memref<256x32xf32, #tpu.memory_space<vmem>>, vector<1x16xf32>,
          %swap3A_201 = vector.shape_cast %swap3A_200 : vector<1x16xf32> to vector<16xf32>
          %swap3A_202 = vector.shape_cast %mul3A_197 : vector<16xf32> to vector<1x16xf32>
          tpu.vector_store %arg11[%swap3A_198, %swap3A_199], %swap3A_202 {strides = array<i32>} : memref<256x32xf32, #tpu.memory_space<vmem>>, vector<1x16xf32>,
          %get3A_203 = arith.index_cast %add3A_191 : i32 to index
          %get3A_204 = arith.constant 16 : index
          %get3A_205 = tpu.vector_load %arg11[%get3A_203, %get3A_204] {strides = array<i32>} : memref<256x32xf32, #tpu.memory_space<vmem>>, vector<1x16xf32>,
          %get3A_206 = vector.shape_cast %get3A_205 : vector<1x16xf32> to vector<16xf32>
          %mul3A_207 = vector.broadcast %squeeze3A_187 : f32 to vector<16xf32>
          %mul3A_208 = arith.mulf %get3A_206, %mul3A_207 : vector<16xf32>
          %swap3A_209 = arith.index_cast %add3A_191 : i32 to index
          %swap3A_210 = arith.constant 16 : index
          %swap3A_211 = tpu.vector_load %arg11[%swap3A_209, %swap3A_210] {strides = array<i32>} : memref<256x32xf32, #tpu.memory_space<vmem>>, vector<1x16xf32>,
          %swap3A_212 = vector.shape_cast %swap3A_211 : vector<1x16xf32> to vector<16xf32>
          %swap3A_213 = vector.shape_cast %mul3A_208 : vector<16xf32> to vector<1x16xf32>
          tpu.vector_store %arg11[%swap3A_209, %swap3A_210], %swap3A_213 {strides = array<i32>} : memref<256x32xf32, #tpu.memory_space<vmem>>, vector<1x16xf32>,
          %slice3A_214 = vector.extract_strided_slice %get3A_132 {offsets = [3], sizes = [1], strides = [1]} : vector<16xf32> to vector<1xf32>
          %squeeze3A_215 = vector.extract %slice3A_214[0] : f32 from vector<1xf32>
          %mul3A_216 = arith.constant 16 : i32
          %mul3A_217 = arith.muli %scan3A_126, %mul3A_216 : i32
          %add3A_218 = arith.constant 3 : i32
          %add3A_219 = arith.addi %mul3A_217, %add3A_218 : i32
          %get3A_220 = arith.index_cast %add3A_219 : i32 to index
          %get3A_221 = arith.constant 0 : index
          %get3A_222 = tpu.vector_load %arg11[%get3A_220, %get3A_221] {strides = array<i32>} : memref<256x32xf32, #tpu.memory_space<vmem>>, vector<1x16xf32>,
          %get3A_223 = vector.shape_cast %get3A_222 : vector<1x16xf32> to vector<16xf32>
          %mul3A_224 = vector.broadcast %squeeze3A_215 : f32 to vector<16xf32>
          %mul3A_225 = arith.mulf %get3A_223, %mul3A_224 : vector<16xf32>
          %swap3A_226 = arith.index_cast %add3A_219 : i32 to index
          %swap3A_227 = arith.constant 0 : index
          %swap3A_228 = tpu.vector_load %arg11[%swap3A_226, %swap3A_227] {strides = array<i32>} : memref<256x32xf32, #tpu.memory_space<vmem>>, vector<1x16xf32>,
          %swap3A_229 = vector.shape_cast %swap3A_228 : vector<1x16xf32> to vector<16xf32>
          %swap3A_230 = vector.shape_cast %mul3A_225 : vector<16xf32> to vector<1x16xf32>
          tpu.vector_store %arg11[%swap3A_226, %swap3A_227], %swap3A_230 {strides = array<i32>} : memref<256x32xf32, #tpu.memory_space<vmem>>, vector<1x16xf32>,
          %get3A_231 = arith.index_cast %add3A_219 : i32 to index
          %get3A_232 = arith.constant 16 : index
          %get3A_233 = tpu.vector_load %arg11[%get3A_231, %get3A_232] {strides = array<i32>} : memref<256x32xf32, #tpu.memory_space<vmem>>, vector<1x16xf32>,
          %get3A_234 = vector.shape_cast %get3A_233 : vector<1x16xf32> to vector<16xf32>
          %mul3A_235 = vector.broadcast %squeeze3A_215 : f32 to vector<16xf32>
          %mul3A_236 = arith.mulf %get3A_234, %mul3A_235 : vector<16xf32>
          %swap3A_237 = arith.index_cast %add3A_219 : i32 to index
          %swap3A_238 = arith.constant 16 : index
          %swap3A_239 = tpu.vector_load %arg11[%swap3A_237, %swap3A_238] {strides = array<i32>} : memref<256x32xf32, #tpu.memory_space<vmem>>, vector<1x16xf32>,
          %swap3A_240 = vector.shape_cast %swap3A_239 : vector<1x16xf32> to vector<16xf32>
          %swap3A_241 = vector.shape_cast %mul3A_236 : vector<16xf32> to vector<1x16xf32>
          tpu.vector_store %arg11[%swap3A_237, %swap3A_238], %swap3A_241 {strides = array<i32>} : memref<256x32xf32, #tpu.memory_space<vmem>>, vector<1x16xf32>,
          %slice3A_242 = vector.extract_strided_slice %get3A_132 {offsets = [4], sizes = [1], strides = [1]} : vector<16xf32> to vector<1xf32>
          %squeeze3A_243 = vector.extract %slice3A_242[0] : f32 from vector<1xf32>
          %mul3A_244 = arith.constant 16 : i32
          %mul3A_245 = arith.muli %scan3A_126, %mul3A_244 : i32
          %add3A_246 = arith.constant 4 : i32
          %add3A_247 = arith.addi %mul3A_245, %add3A_246 : i32
          %get3A_248 = arith.index_cast %add3A_247 : i32 to index
          %get3A_249 = arith.constant 0 : index
          %get3A_250 = tpu.vector_load %arg11[%get3A_248, %get3A_249] {strides = array<i32>} : memref<256x32xf32, #tpu.memory_space<vmem>>, vector<1x16xf32>,
          %get3A_251 = vector.shape_cast %get3A_250 : vector<1x16xf32> to vector<16xf32>
          %mul3A_252 = vector.broadcast %squeeze3A_243 : f32 to vector<16xf32>
          %mul3A_253 = arith.mulf %get3A_251, %mul3A_252 : vector<16xf32>
          %swap3A_254 = arith.index_cast %add3A_247 : i32 to index
          %swap3A_255 = arith.constant 0 : index
          %swap3A_256 = tpu.vector_load %arg11[%swap3A_254, %swap3A_255] {strides = array<i32>} : memref<256x32xf32, #tpu.memory_space<vmem>>, vector<1x16xf32>,
          %swap3A_257 = vector.shape_cast %swap3A_256 : vector<1x16xf32> to vector<16xf32>
          %swap3A_258 = vector.shape_cast %mul3A_253 : vector<16xf32> to vector<1x16xf32>
          tpu.vector_store %arg11[%swap3A_254, %swap3A_255], %swap3A_258 {strides = array<i32>} : memref<256x32xf32, #tpu.memory_space<vmem>>, vector<1x16xf32>,
          %get3A_259 = arith.index_cast %add3A_247 : i32 to index
          %get3A_260 = arith.constant 16 : index
          %get3A_261 = tpu.vector_load %arg11[%get3A_259, %get3A_260] {strides = array<i32>} : memref<256x32xf32, #tpu.memory_space<vmem>>, vector<1x16xf32>,
          %get3A_262 = vector.shape_cast %get3A_261 : vector<1x16xf32> to vector<16xf32>
          %mul3A_263 = vector.broadcast %squeeze3A_243 : f32 to vector<16xf32>
          %mul3A_264 = arith.mulf %get3A_262, %mul3A_263 : vector<16xf32>
          %swap3A_265 = arith.index_cast %add3A_247 : i32 to index
          %swap3A_266 = arith.constant 16 : index
          %swap3A_267 = tpu.vector_load %arg11[%swap3A_265, %swap3A_266] {strides = array<i32>} : memref<256x32xf32, #tpu.memory_space<vmem>>, vector<1x16xf32>,
          %swap3A_268 = vector.shape_cast %swap3A_267 : vector<1x16xf32> to vector<16xf32>
          %swap3A_269 = vector.shape_cast %mul3A_264 : vector<16xf32> to vector<1x16xf32>
          tpu.vector_store %arg11[%swap3A_265, %swap3A_266], %swap3A_269 {strides = array<i32>} : memref<256x32xf32, #tpu.memory_space<vmem>>, vector<1x16xf32>,
          %slice3A_270 = vector.extract_strided_slice %get3A_132 {offsets = [5], sizes = [1], strides = [1]} : vector<16xf32> to vector<1xf32>
          %squeeze3A_271 = vector.extract %slice3A_270[0] : f32 from vector<1xf32>
          %mul3A_272 = arith.constant 16 : i32
          %mul3A_273 = arith.muli %scan3A_126, %mul3A_272 : i32
          %add3A_274 = arith.constant 5 : i32
          %add3A_275 = arith.addi %mul3A_273, %add3A_274 : i32
          %get3A_276 = arith.index_cast %add3A_275 : i32 to index
          %get3A_277 = arith.constant 0 : index
          %get3A_278 = tpu.vector_load %arg11[%get3A_276, %get3A_277] {strides = array<i32>} : memref<256x32xf32, #tpu.memory_space<vmem>>, vector<1x16xf32>,
          %get3A_279 = vector.shape_cast %get3A_278 : vector<1x16xf32> to vector<16xf32>
          %mul3A_280 = vector.broadcast %squeeze3A_271 : f32 to vector<16xf32>
          %mul3A_281 = arith.mulf %get3A_279, %mul3A_280 : vector<16xf32>
          %swap3A_282 = arith.index_cast %add3A_275 : i32 to index
          %swap3A_283 = arith.constant 0 : index
          %swap3A_284 = tpu.vector_load %arg11[%swap3A_282, %swap3A_283] {strides = array<i32>} : memref<256x32xf32, #tpu.memory_space<vmem>>, vector<1x16xf32>,
          %swap3A_285 = vector.shape_cast %swap3A_284 : vector<1x16xf32> to vector<16xf32>
          %swap3A_286 = vector.shape_cast %mul3A_281 : vector<16xf32> to vector<1x16xf32>
          tpu.vector_store %arg11[%swap3A_282, %swap3A_283], %swap3A_286 {strides = array<i32>} : memref<256x32xf32, #tpu.memory_space<vmem>>, vector<1x16xf32>,
          %get3A_287 = arith.index_cast %add3A_275 : i32 to index
          %get3A_288 = arith.constant 16 : index
          %get3A_289 = tpu.vector_load %arg11[%get3A_287, %get3A_288] {strides = array<i32>} : memref<256x32xf32, #tpu.memory_space<vmem>>, vector<1x16xf32>,
          %get3A_290 = vector.shape_cast %get3A_289 : vector<1x16xf32> to vector<16xf32>
          %mul3A_291 = vector.broadcast %squeeze3A_271 : f32 to vector<16xf32>
          %mul3A_292 = arith.mulf %get3A_290, %mul3A_291 : vector<16xf32>
          %swap3A_293 = arith.index_cast %add3A_275 : i32 to index
          %swap3A_294 = arith.constant 16 : index
          %swap3A_295 = tpu.vector_load %arg11[%swap3A_293, %swap3A_294] {strides = array<i32>} : memref<256x32xf32, #tpu.memory_space<vmem>>, vector<1x16xf32>,
          %swap3A_296 = vector.shape_cast %swap3A_295 : vector<1x16xf32> to vector<16xf32>
          %swap3A_297 = vector.shape_cast %mul3A_292 : vector<16xf32> to vector<1x16xf32>
          tpu.vector_store %arg11[%swap3A_293, %swap3A_294], %swap3A_297 {strides = array<i32>} : memref<256x32xf32, #tpu.memory_space<vmem>>, vector<1x16xf32>,
          %slice3A_298 = vector.extract_strided_slice %get3A_132 {offsets = [6], sizes = [1], strides = [1]} : vector<16xf32> to vector<1xf32>
          %squeeze3A_299 = vector.extract %slice3A_298[0] : f32 from vector<1xf32>
          %mul3A_300 = arith.constant 16 : i32
          %mul3A_301 = arith.muli %scan3A_126, %mul3A_300 : i32
          %add3A_302 = arith.constant 6 : i32
          %add3A_303 = arith.addi %mul3A_301, %add3A_302 : i32
          %get3A_304 = arith.index_cast %add3A_303 : i32 to index
          %get3A_305 = arith.constant 0 : index
          %get3A_306 = tpu.vector_load %arg11[%get3A_304, %get3A_305] {strides = array<i32>} : memref<256x32xf32, #tpu.memory_space<vmem>>, vector<1x16xf32>,
          %get3A_307 = vector.shape_cast %get3A_306 : vector<1x16xf32> to vector<16xf32>
          %mul3A_308 = vector.broadcast %squeeze3A_299 : f32 to vector<16xf32>
          %mul3A_309 = arith.mulf %get3A_307, %mul3A_308 : vector<16xf32>
          %swap3A_310 = arith.index_cast %add3A_303 : i32 to index
          %swap3A_311 = arith.constant 0 : index
          %swap3A_312 = tpu.vector_load %arg11[%swap3A_310, %swap3A_311] {strides = array<i32>} : memref<256x32xf32, #tpu.memory_space<vmem>>, vector<1x16xf32>,
          %swap3A_313 = vector.shape_cast %swap3A_312 : vector<1x16xf32> to vector<16xf32>
          %swap3A_314 = vector.shape_cast %mul3A_309 : vector<16xf32> to vector<1x16xf32>
          tpu.vector_store %arg11[%swap3A_310, %swap3A_311], %swap3A_314 {strides = array<i32>} : memref<256x32xf32, #tpu.memory_space<vmem>>, vector<1x16xf32>,
          %get3A_315 = arith.index_cast %add3A_303 : i32 to index
          %get3A_316 = arith.constant 16 : index
          %get3A_317 = tpu.vector_load %arg11[%get3A_315, %get3A_316] {strides = array<i32>} : memref<256x32xf32, #tpu.memory_space<vmem>>, vector<1x16xf32>,
          %get3A_318 = vector.shape_cast %get3A_317 : vector<1x16xf32> to vector<16xf32>
          %mul3A_319 = vector.broadcast %squeeze3A_299 : f32 to vector<16xf32>
          %mul3A_320 = arith.mulf %get3A_318, %mul3A_319 : vector<16xf32>
          %swap3A_321 = arith.index_cast %add3A_303 : i32 to index
          %swap3A_322 = arith.constant 16 : index
          %swap3A_323 = tpu.vector_load %arg11[%swap3A_321, %swap3A_322] {strides = array<i32>} : memref<256x32xf32, #tpu.memory_space<vmem>>, vector<1x16xf32>,
          %swap3A_324 = vector.shape_cast %swap3A_323 : vector<1x16xf32> to vector<16xf32>
          %swap3A_325 = vector.shape_cast %mul3A_320 : vector<16xf32> to vector<1x16xf32>
          tpu.vector_store %arg11[%swap3A_321, %swap3A_322], %swap3A_325 {strides = array<i32>} : memref<256x32xf32, #tpu.memory_space<vmem>>, vector<1x16xf32>,
          %slice3A_326 = vector.extract_strided_slice %get3A_132 {offsets = [7], sizes = [1], strides = [1]} : vector<16xf32> to vector<1xf32>
          %squeeze3A_327 = vector.extract %slice3A_326[0] : f32 from vector<1xf32>
          %mul3A_328 = arith.constant 16 : i32
          %mul3A_329 = arith.muli %scan3A_126, %mul3A_328 : i32
          %add3A_330 = arith.constant 7 : i32
          %add3A_331 = arith.addi %mul3A_329, %add3A_330 : i32
          %get3A_332 = arith.index_cast %add3A_331 : i32 to index
          %get3A_333 = arith.constant 0 : index
          %get3A_334 = tpu.vector_load %arg11[%get3A_332, %get3A_333] {strides = array<i32>} : memref<256x32xf32, #tpu.memory_space<vmem>>, vector<1x16xf32>,
          %get3A_335 = vector.shape_cast %get3A_334 : vector<1x16xf32> to vector<16xf32>
          %mul3A_336 = vector.broadcast %squeeze3A_327 : f32 to vector<16xf32>
          %mul3A_337 = arith.mulf %get3A_335, %mul3A_336 : vector<16xf32>
          %swap3A_338 = arith.index_cast %add3A_331 : i32 to index
          %swap3A_339 = arith.constant 0 : index
          %swap3A_340 = tpu.vector_load %arg11[%swap3A_338, %swap3A_339] {strides = array<i32>} : memref<256x32xf32, #tpu.memory_space<vmem>>, vector<1x16xf32>,
          %swap3A_341 = vector.shape_cast %swap3A_340 : vector<1x16xf32> to vector<16xf32>
          %swap3A_342 = vector.shape_cast %mul3A_337 : vector<16xf32> to vector<1x16xf32>
          tpu.vector_store %arg11[%swap3A_338, %swap3A_339], %swap3A_342 {strides = array<i32>} : memref<256x32xf32, #tpu.memory_space<vmem>>, vector<1x16xf32>,
          %get3A_343 = arith.index_cast %add3A_331 : i32 to index
          %get3A_344 = arith.constant 16 : index
          %get3A_345 = tpu.vector_load %arg11[%get3A_343, %get3A_344] {strides = array<i32>} : memref<256x32xf32, #tpu.memory_space<vmem>>, vector<1x16xf32>,
          %get3A_346 = vector.shape_cast %get3A_345 : vector<1x16xf32> to vector<16xf32>
          %mul3A_347 = vector.broadcast %squeeze3A_327 : f32 to vector<16xf32>
          %mul3A_348 = arith.mulf %get3A_346, %mul3A_347 : vector<16xf32>
          %swap3A_349 = arith.index_cast %add3A_331 : i32 to index
          %swap3A_350 = arith.constant 16 : index
          %swap3A_351 = tpu.vector_load %arg11[%swap3A_349, %swap3A_350] {strides = array<i32>} : memref<256x32xf32, #tpu.memory_space<vmem>>, vector<1x16xf32>,
          %swap3A_352 = vector.shape_cast %swap3A_351 : vector<1x16xf32> to vector<16xf32>
          %swap3A_353 = vector.shape_cast %mul3A_348 : vector<16xf32> to vector<1x16xf32>
          tpu.vector_store %arg11[%swap3A_349, %swap3A_350], %swap3A_353 {strides = array<i32>} : memref<256x32xf32, #tpu.memory_space<vmem>>, vector<1x16xf32>,
          %slice3A_354 = vector.extract_strided_slice %get3A_132 {offsets = [8], sizes = [1], strides = [1]} : vector<16xf32> to vector<1xf32>
          %squeeze3A_355 = vector.extract %slice3A_354[0] : f32 from vector<1xf32>
          %mul3A_356 = arith.constant 16 : i32
          %mul3A_357 = arith.muli %scan3A_126, %mul3A_356 : i32
          %add3A_358 = arith.constant 8 : i32
          %add3A_359 = arith.addi %mul3A_357, %add3A_358 : i32
          %get3A_360 = arith.index_cast %add3A_359 : i32 to index
          %get3A_361 = arith.constant 0 : index
          %get3A_362 = tpu.vector_load %arg11[%get3A_360, %get3A_361] {strides = array<i32>} : memref<256x32xf32, #tpu.memory_space<vmem>>, vector<1x16xf32>,
          %get3A_363 = vector.shape_cast %get3A_362 : vector<1x16xf32> to vector<16xf32>
          %mul3A_364 = vector.broadcast %squeeze3A_355 : f32 to vector<16xf32>
          %mul3A_365 = arith.mulf %get3A_363, %mul3A_364 : vector<16xf32>
          %swap3A_366 = arith.index_cast %add3A_359 : i32 to index
          %swap3A_367 = arith.constant 0 : index
          %swap3A_368 = tpu.vector_load %arg11[%swap3A_366, %swap3A_367] {strides = array<i32>} : memref<256x32xf32, #tpu.memory_space<vmem>>, vector<1x16xf32>,
          %swap3A_369 = vector.shape_cast %swap3A_368 : vector<1x16xf32> to vector<16xf32>
          %swap3A_370 = vector.shape_cast %mul3A_365 : vector<16xf32> to vector<1x16xf32>
          tpu.vector_store %arg11[%swap3A_366, %swap3A_367], %swap3A_370 {strides = array<i32>} : memref<256x32xf32, #tpu.memory_space<vmem>>, vector<1x16xf32>,
          %get3A_371 = arith.index_cast %add3A_359 : i32 to index
          %get3A_372 = arith.constant 16 : index
          %get3A_373 = tpu.vector_load %arg11[%get3A_371, %get3A_372] {strides = array<i32>} : memref<256x32xf32, #tpu.memory_space<vmem>>, vector<1x16xf32>,
          %get3A_374 = vector.shape_cast %get3A_373 : vector<1x16xf32> to vector<16xf32>
          %mul3A_375 = vector.broadcast %squeeze3A_355 : f32 to vector<16xf32>
          %mul3A_376 = arith.mulf %get3A_374, %mul3A_375 : vector<16xf32>
          %swap3A_377 = arith.index_cast %add3A_359 : i32 to index
          %swap3A_378 = arith.constant 16 : index
          %swap3A_379 = tpu.vector_load %arg11[%swap3A_377, %swap3A_378] {strides = array<i32>} : memref<256x32xf32, #tpu.memory_space<vmem>>, vector<1x16xf32>,
          %swap3A_380 = vector.shape_cast %swap3A_379 : vector<1x16xf32> to vector<16xf32>
          %swap3A_381 = vector.shape_cast %mul3A_376 : vector<16xf32> to vector<1x16xf32>
          tpu.vector_store %arg11[%swap3A_377, %swap3A_378], %swap3A_381 {strides = array<i32>} : memref<256x32xf32, #tpu.memory_space<vmem>>, vector<1x16xf32>,
          %slice3A_382 = vector.extract_strided_slice %get3A_132 {offsets = [9], sizes = [1], strides = [1]} : vector<16xf32> to vector<1xf32>
          %squeeze3A_383 = vector.extract %slice3A_382[0] : f32 from vector<1xf32>
          %mul3A_384 = arith.constant 16 : i32
          %mul3A_385 = arith.muli %scan3A_126, %mul3A_384 : i32
          %add3A_386 = arith.constant 9 : i32
          %add3A_387 = arith.addi %mul3A_385, %add3A_386 : i32
          %get3A_388 = arith.index_cast %add3A_387 : i32 to index
          %get3A_389 = arith.constant 0 : index
          %get3A_390 = tpu.vector_load %arg11[%get3A_388, %get3A_389] {strides = array<i32>} : memref<256x32xf32, #tpu.memory_space<vmem>>, vector<1x16xf32>,
          %get3A_391 = vector.shape_cast %get3A_390 : vector<1x16xf32> to vector<16xf32>
          %mul3A_392 = vector.broadcast %squeeze3A_383 : f32 to vector<16xf32>
          %mul3A_393 = arith.mulf %get3A_391, %mul3A_392 : vector<16xf32>
          %swap3A_394 = arith.index_cast %add3A_387 : i32 to index
          %swap3A_395 = arith.constant 0 : index
          %swap3A_396 = tpu.vector_load %arg11[%swap3A_394, %swap3A_395] {strides = array<i32>} : memref<256x32xf32, #tpu.memory_space<vmem>>, vector<1x16xf32>,
          %swap3A_397 = vector.shape_cast %swap3A_396 : vector<1x16xf32> to vector<16xf32>
          %swap3A_398 = vector.shape_cast %mul3A_393 : vector<16xf32> to vector<1x16xf32>
          tpu.vector_store %arg11[%swap3A_394, %swap3A_395], %swap3A_398 {strides = array<i32>} : memref<256x32xf32, #tpu.memory_space<vmem>>, vector<1x16xf32>,
          %get3A_399 = arith.index_cast %add3A_387 : i32 to index
          %get3A_400 = arith.constant 16 : index
          %get3A_401 = tpu.vector_load %arg11[%get3A_399, %get3A_400] {strides = array<i32>} : memref<256x32xf32, #tpu.memory_space<vmem>>, vector<1x16xf32>,
          %get3A_402 = vector.shape_cast %get3A_401 : vector<1x16xf32> to vector<16xf32>
          %mul3A_403 = vector.broadcast %squeeze3A_383 : f32 to vector<16xf32>
          %mul3A_404 = arith.mulf %get3A_402, %mul3A_403 : vector<16xf32>
          %swap3A_405 = arith.index_cast %add3A_387 : i32 to index
          %swap3A_406 = arith.constant 16 : index
          %swap3A_407 = tpu.vector_load %arg11[%swap3A_405, %swap3A_406] {strides = array<i32>} : memref<256x32xf32, #tpu.memory_space<vmem>>, vector<1x16xf32>,
          %swap3A_408 = vector.shape_cast %swap3A_407 : vector<1x16xf32> to vector<16xf32>
          %swap3A_409 = vector.shape_cast %mul3A_404 : vector<16xf32> to vector<1x16xf32>
          tpu.vector_store %arg11[%swap3A_405, %swap3A_406], %swap3A_409 {strides = array<i32>} : memref<256x32xf32, #tpu.memory_space<vmem>>, vector<1x16xf32>,
          %slice3A_410 = vector.extract_strided_slice %get3A_132 {offsets = [10], sizes = [1], strides = [1]} : vector<16xf32> to vector<1xf32>
          %squeeze3A_411 = vector.extract %slice3A_410[0] : f32 from vector<1xf32>
          %mul3A_412 = arith.constant 16 : i32
          %mul3A_413 = arith.muli %scan3A_126, %mul3A_412 : i32
          %add3A_414 = arith.constant 10 : i32
          %add3A_415 = arith.addi %mul3A_413, %add3A_414 : i32
          %get3A_416 = arith.index_cast %add3A_415 : i32 to index
          %get3A_417 = arith.constant 0 : index
          %get3A_418 = tpu.vector_load %arg11[%get3A_416, %get3A_417] {strides = array<i32>} : memref<256x32xf32, #tpu.memory_space<vmem>>, vector<1x16xf32>,
          %get3A_419 = vector.shape_cast %get3A_418 : vector<1x16xf32> to vector<16xf32>
          %mul3A_420 = vector.broadcast %squeeze3A_411 : f32 to vector<16xf32>
          %mul3A_421 = arith.mulf %get3A_419, %mul3A_420 : vector<16xf32>
          %swap3A_422 = arith.index_cast %add3A_415 : i32 to index
          %swap3A_423 = arith.constant 0 : index
          %swap3A_424 = tpu.vector_load %arg11[%swap3A_422, %swap3A_423] {strides = array<i32>} : memref<256x32xf32, #tpu.memory_space<vmem>>, vector<1x16xf32>,
          %swap3A_425 = vector.shape_cast %swap3A_424 : vector<1x16xf32> to vector<16xf32>
          %swap3A_426 = vector.shape_cast %mul3A_421 : vector<16xf32> to vector<1x16xf32>
          tpu.vector_store %arg11[%swap3A_422, %swap3A_423], %swap3A_426 {strides = array<i32>} : memref<256x32xf32, #tpu.memory_space<vmem>>, vector<1x16xf32>,
          %get3A_427 = arith.index_cast %add3A_415 : i32 to index
          %get3A_428 = arith.constant 16 : index
          %get3A_429 = tpu.vector_load %arg11[%get3A_427, %get3A_428] {strides = array<i32>} : memref<256x32xf32, #tpu.memory_space<vmem>>, vector<1x16xf32>,
          %get3A_430 = vector.shape_cast %get3A_429 : vector<1x16xf32> to vector<16xf32>
          %mul3A_431 = vector.broadcast %squeeze3A_411 : f32 to vector<16xf32>
          %mul3A_432 = arith.mulf %get3A_430, %mul3A_431 : vector<16xf32>
          %swap3A_433 = arith.index_cast %add3A_415 : i32 to index
          %swap3A_434 = arith.constant 16 : index
          %swap3A_435 = tpu.vector_load %arg11[%swap3A_433, %swap3A_434] {strides = array<i32>} : memref<256x32xf32, #tpu.memory_space<vmem>>, vector<1x16xf32>,
          %swap3A_436 = vector.shape_cast %swap3A_435 : vector<1x16xf32> to vector<16xf32>
          %swap3A_437 = vector.shape_cast %mul3A_432 : vector<16xf32> to vector<1x16xf32>
          tpu.vector_store %arg11[%swap3A_433, %swap3A_434], %swap3A_437 {strides = array<i32>} : memref<256x32xf32, #tpu.memory_space<vmem>>, vector<1x16xf32>,
          %slice3A_438 = vector.extract_strided_slice %get3A_132 {offsets = [11], sizes = [1], strides = [1]} : vector<16xf32> to vector<1xf32>
          %squeeze3A_439 = vector.extract %slice3A_438[0] : f32 from vector<1xf32>
          %mul3A_440 = arith.constant 16 : i32
          %mul3A_441 = arith.muli %scan3A_126, %mul3A_440 : i32
          %add3A_442 = arith.constant 11 : i32
          %add3A_443 = arith.addi %mul3A_441, %add3A_442 : i32
          %get3A_444 = arith.index_cast %add3A_443 : i32 to index
          %get3A_445 = arith.constant 0 : index
          %get3A_446 = tpu.vector_load %arg11[%get3A_444, %get3A_445] {strides = array<i32>} : memref<256x32xf32, #tpu.memory_space<vmem>>, vector<1x16xf32>,
          %get3A_447 = vector.shape_cast %get3A_446 : vector<1x16xf32> to vector<16xf32>
          %mul3A_448 = vector.broadcast %squeeze3A_439 : f32 to vector<16xf32>
          %mul3A_449 = arith.mulf %get3A_447, %mul3A_448 : vector<16xf32>
          %swap3A_450 = arith.index_cast %add3A_443 : i32 to index
          %swap3A_451 = arith.constant 0 : index
          %swap3A_452 = tpu.vector_load %arg11[%swap3A_450, %swap3A_451] {strides = array<i32>} : memref<256x32xf32, #tpu.memory_space<vmem>>, vector<1x16xf32>,
          %swap3A_453 = vector.shape_cast %swap3A_452 : vector<1x16xf32> to vector<16xf32>
          %swap3A_454 = vector.shape_cast %mul3A_449 : vector<16xf32> to vector<1x16xf32>
          tpu.vector_store %arg11[%swap3A_450, %swap3A_451], %swap3A_454 {strides = array<i32>} : memref<256x32xf32, #tpu.memory_space<vmem>>, vector<1x16xf32>,
          %get3A_455 = arith.index_cast %add3A_443 : i32 to index
          %get3A_456 = arith.constant 16 : index
          %get3A_457 = tpu.vector_load %arg11[%get3A_455, %get3A_456] {strides = array<i32>} : memref<256x32xf32, #tpu.memory_space<vmem>>, vector<1x16xf32>,
          %get3A_458 = vector.shape_cast %get3A_457 : vector<1x16xf32> to vector<16xf32>
          %mul3A_459 = vector.broadcast %squeeze3A_439 : f32 to vector<16xf32>
          %mul3A_460 = arith.mulf %get3A_458, %mul3A_459 : vector<16xf32>
          %swap3A_461 = arith.index_cast %add3A_443 : i32 to index
          %swap3A_462 = arith.constant 16 : index
          %swap3A_463 = tpu.vector_load %arg11[%swap3A_461, %swap3A_462] {strides = array<i32>} : memref<256x32xf32, #tpu.memory_space<vmem>>, vector<1x16xf32>,
          %swap3A_464 = vector.shape_cast %swap3A_463 : vector<1x16xf32> to vector<16xf32>
          %swap3A_465 = vector.shape_cast %mul3A_460 : vector<16xf32> to vector<1x16xf32>
          tpu.vector_store %arg11[%swap3A_461, %swap3A_462], %swap3A_465 {strides = array<i32>} : memref<256x32xf32, #tpu.memory_space<vmem>>, vector<1x16xf32>,
          %slice3A_466 = vector.extract_strided_slice %get3A_132 {offsets = [12], sizes = [1], strides = [1]} : vector<16xf32> to vector<1xf32>
          %squeeze3A_467 = vector.extract %slice3A_466[0] : f32 from vector<1xf32>
          %mul3A_468 = arith.constant 16 : i32
          %mul3A_469 = arith.muli %scan3A_126, %mul3A_468 : i32
          %add3A_470 = arith.constant 12 : i32
          %add3A_471 = arith.addi %mul3A_469, %add3A_470 : i32
          %get3A_472 = arith.index_cast %add3A_471 : i32 to index
          %get3A_473 = arith.constant 0 : index
          %get3A_474 = tpu.vector_load %arg11[%get3A_472, %get3A_473] {strides = array<i32>} : memref<256x32xf32, #tpu.memory_space<vmem>>, vector<1x16xf32>,
          %get3A_475 = vector.shape_cast %get3A_474 : vector<1x16xf32> to vector<16xf32>
          %mul3A_476 = vector.broadcast %squeeze3A_467 : f32 to vector<16xf32>
          %mul3A_477 = arith.mulf %get3A_475, %mul3A_476 : vector<16xf32>
          %swap3A_478 = arith.index_cast %add3A_471 : i32 to index
          %swap3A_479 = arith.constant 0 : index
          %swap3A_480 = tpu.vector_load %arg11[%swap3A_478, %swap3A_479] {strides = array<i32>} : memref<256x32xf32, #tpu.memory_space<vmem>>, vector<1x16xf32>,
          %swap3A_481 = vector.shape_cast %swap3A_480 : vector<1x16xf32> to vector<16xf32>
          %swap3A_482 = vector.shape_cast %mul3A_477 : vector<16xf32> to vector<1x16xf32>
          tpu.vector_store %arg11[%swap3A_478, %swap3A_479], %swap3A_482 {strides = array<i32>} : memref<256x32xf32, #tpu.memory_space<vmem>>, vector<1x16xf32>,
          %get3A_483 = arith.index_cast %add3A_471 : i32 to index
          %get3A_484 = arith.constant 16 : index
          %get3A_485 = tpu.vector_load %arg11[%get3A_483, %get3A_484] {strides = array<i32>} : memref<256x32xf32, #tpu.memory_space<vmem>>, vector<1x16xf32>,
          %get3A_486 = vector.shape_cast %get3A_485 : vector<1x16xf32> to vector<16xf32>
          %mul3A_487 = vector.broadcast %squeeze3A_467 : f32 to vector<16xf32>
          %mul3A_488 = arith.mulf %get3A_486, %mul3A_487 : vector<16xf32>
          %swap3A_489 = arith.index_cast %add3A_471 : i32 to index
          %swap3A_490 = arith.constant 16 : index
          %swap3A_491 = tpu.vector_load %arg11[%swap3A_489, %swap3A_490] {strides = array<i32>} : memref<256x32xf32, #tpu.memory_space<vmem>>, vector<1x16xf32>,
          %swap3A_492 = vector.shape_cast %swap3A_491 : vector<1x16xf32> to vector<16xf32>
          %swap3A_493 = vector.shape_cast %mul3A_488 : vector<16xf32> to vector<1x16xf32>
          tpu.vector_store %arg11[%swap3A_489, %swap3A_490], %swap3A_493 {strides = array<i32>} : memref<256x32xf32, #tpu.memory_space<vmem>>, vector<1x16xf32>,
          %slice3A_494 = vector.extract_strided_slice %get3A_132 {offsets = [13], sizes = [1], strides = [1]} : vector<16xf32> to vector<1xf32>
          %squeeze3A_495 = vector.extract %slice3A_494[0] : f32 from vector<1xf32>
          %mul3A_496 = arith.constant 16 : i32
          %mul3A_497 = arith.muli %scan3A_126, %mul3A_496 : i32
          %add3A_498 = arith.constant 13 : i32
          %add3A_499 = arith.addi %mul3A_497, %add3A_498 : i32
          %get3A_500 = arith.index_cast %add3A_499 : i32 to index
          %get3A_501 = arith.constant 0 : index
          %get3A_502 = tpu.vector_load %arg11[%get3A_500, %get3A_501] {strides = array<i32>} : memref<256x32xf32, #tpu.memory_space<vmem>>, vector<1x16xf32>,
          %get3A_503 = vector.shape_cast %get3A_502 : vector<1x16xf32> to vector<16xf32>
          %mul3A_504 = vector.broadcast %squeeze3A_495 : f32 to vector<16xf32>
          %mul3A_505 = arith.mulf %get3A_503, %mul3A_504 : vector<16xf32>
          %swap3A_506 = arith.index_cast %add3A_499 : i32 to index
          %swap3A_507 = arith.constant 0 : index
          %swap3A_508 = tpu.vector_load %arg11[%swap3A_506, %swap3A_507] {strides = array<i32>} : memref<256x32xf32, #tpu.memory_space<vmem>>, vector<1x16xf32>,
          %swap3A_509 = vector.shape_cast %swap3A_508 : vector<1x16xf32> to vector<16xf32>
          %swap3A_510 = vector.shape_cast %mul3A_505 : vector<16xf32> to vector<1x16xf32>
          tpu.vector_store %arg11[%swap3A_506, %swap3A_507], %swap3A_510 {strides = array<i32>} : memref<256x32xf32, #tpu.memory_space<vmem>>, vector<1x16xf32>,
          %get3A_511 = arith.index_cast %add3A_499 : i32 to index
          %get3A_512 = arith.constant 16 : index
          %get3A_513 = tpu.vector_load %arg11[%get3A_511, %get3A_512] {strides = array<i32>} : memref<256x32xf32, #tpu.memory_space<vmem>>, vector<1x16xf32>,
          %get3A_514 = vector.shape_cast %get3A_513 : vector<1x16xf32> to vector<16xf32>
          %mul3A_515 = vector.broadcast %squeeze3A_495 : f32 to vector<16xf32>
          %mul3A_516 = arith.mulf %get3A_514, %mul3A_515 : vector<16xf32>
          %swap3A_517 = arith.index_cast %add3A_499 : i32 to index
          %swap3A_518 = arith.constant 16 : index
          %swap3A_519 = tpu.vector_load %arg11[%swap3A_517, %swap3A_518] {strides = array<i32>} : memref<256x32xf32, #tpu.memory_space<vmem>>, vector<1x16xf32>,
          %swap3A_520 = vector.shape_cast %swap3A_519 : vector<1x16xf32> to vector<16xf32>
          %swap3A_521 = vector.shape_cast %mul3A_516 : vector<16xf32> to vector<1x16xf32>
          tpu.vector_store %arg11[%swap3A_517, %swap3A_518], %swap3A_521 {strides = array<i32>} : memref<256x32xf32, #tpu.memory_space<vmem>>, vector<1x16xf32>,
          %slice3A_522 = vector.extract_strided_slice %get3A_132 {offsets = [14], sizes = [1], strides = [1]} : vector<16xf32> to vector<1xf32>
          %squeeze3A_523 = vector.extract %slice3A_522[0] : f32 from vector<1xf32>
          %mul3A_524 = arith.constant 16 : i32
          %mul3A_525 = arith.muli %scan3A_126, %mul3A_524 : i32
          %add3A_526 = arith.constant 14 : i32
          %add3A_527 = arith.addi %mul3A_525, %add3A_526 : i32
          %get3A_528 = arith.index_cast %add3A_527 : i32 to index
          %get3A_529 = arith.constant 0 : index
          %get3A_530 = tpu.vector_load %arg11[%get3A_528, %get3A_529] {strides = array<i32>} : memref<256x32xf32, #tpu.memory_space<vmem>>, vector<1x16xf32>,
          %get3A_531 = vector.shape_cast %get3A_530 : vector<1x16xf32> to vector<16xf32>
          %mul3A_532 = vector.broadcast %squeeze3A_523 : f32 to vector<16xf32>
          %mul3A_533 = arith.mulf %get3A_531, %mul3A_532 : vector<16xf32>
          %swap3A_534 = arith.index_cast %add3A_527 : i32 to index
          %swap3A_535 = arith.constant 0 : index
          %swap3A_536 = tpu.vector_load %arg11[%swap3A_534, %swap3A_535] {strides = array<i32>} : memref<256x32xf32, #tpu.memory_space<vmem>>, vector<1x16xf32>,
          %swap3A_537 = vector.shape_cast %swap3A_536 : vector<1x16xf32> to vector<16xf32>
          %swap3A_538 = vector.shape_cast %mul3A_533 : vector<16xf32> to vector<1x16xf32>
          tpu.vector_store %arg11[%swap3A_534, %swap3A_535], %swap3A_538 {strides = array<i32>} : memref<256x32xf32, #tpu.memory_space<vmem>>, vector<1x16xf32>,
          %get3A_539 = arith.index_cast %add3A_527 : i32 to index
          %get3A_540 = arith.constant 16 : index
          %get3A_541 = tpu.vector_load %arg11[%get3A_539, %get3A_540] {strides = array<i32>} : memref<256x32xf32, #tpu.memory_space<vmem>>, vector<1x16xf32>,
          %get3A_542 = vector.shape_cast %get3A_541 : vector<1x16xf32> to vector<16xf32>
          %mul3A_543 = vector.broadcast %squeeze3A_523 : f32 to vector<16xf32>
          %mul3A_544 = arith.mulf %get3A_542, %mul3A_543 : vector<16xf32>
          %swap3A_545 = arith.index_cast %add3A_527 : i32 to index
          %swap3A_546 = arith.constant 16 : index
          %swap3A_547 = tpu.vector_load %arg11[%swap3A_545, %swap3A_546] {strides = array<i32>} : memref<256x32xf32, #tpu.memory_space<vmem>>, vector<1x16xf32>,
          %swap3A_548 = vector.shape_cast %swap3A_547 : vector<1x16xf32> to vector<16xf32>
          %swap3A_549 = vector.shape_cast %mul3A_544 : vector<16xf32> to vector<1x16xf32>
          tpu.vector_store %arg11[%swap3A_545, %swap3A_546], %swap3A_549 {strides = array<i32>} : memref<256x32xf32, #tpu.memory_space<vmem>>, vector<1x16xf32>,
          %slice3A_550 = vector.extract_strided_slice %get3A_132 {offsets = [15], sizes = [1], strides = [1]} : vector<16xf32> to vector<1xf32>
          %squeeze3A_551 = vector.extract %slice3A_550[0] : f32 from vector<1xf32>
          %mul3A_552 = arith.constant 16 : i32
          %mul3A_553 = arith.muli %scan3A_126, %mul3A_552 : i32
          %add3A_554 = arith.constant 15 : i32
          %add3A_555 = arith.addi %mul3A_553, %add3A_554 : i32
          %get3A_556 = arith.index_cast %add3A_555 : i32 to index
          %get3A_557 = arith.constant 0 : index
          %get3A_558 = tpu.vector_load %arg11[%get3A_556, %get3A_557] {strides = array<i32>} : memref<256x32xf32, #tpu.memory_space<vmem>>, vector<1x16xf32>,
          %get3A_559 = vector.shape_cast %get3A_558 : vector<1x16xf32> to vector<16xf32>
          %mul3A_560 = vector.broadcast %squeeze3A_551 : f32 to vector<16xf32>
          %mul3A_561 = arith.mulf %get3A_559, %mul3A_560 : vector<16xf32>
          %swap3A_562 = arith.index_cast %add3A_555 : i32 to index
          %swap3A_563 = arith.constant 0 : index
          %swap3A_564 = tpu.vector_load %arg11[%swap3A_562, %swap3A_563] {strides = array<i32>} : memref<256x32xf32, #tpu.memory_space<vmem>>, vector<1x16xf32>,
          %swap3A_565 = vector.shape_cast %swap3A_564 : vector<1x16xf32> to vector<16xf32>
          %swap3A_566 = vector.shape_cast %mul3A_561 : vector<16xf32> to vector<1x16xf32>
          tpu.vector_store %arg11[%swap3A_562, %swap3A_563], %swap3A_566 {strides = array<i32>} : memref<256x32xf32, #tpu.memory_space<vmem>>, vector<1x16xf32>,
          %get3A_567 = arith.index_cast %add3A_555 : i32 to index
          %get3A_568 = arith.constant 16 : index
          %get3A_569 = tpu.vector_load %arg11[%get3A_567, %get3A_568] {strides = array<i32>} : memref<256x32xf32, #tpu.memory_space<vmem>>, vector<1x16xf32>,
          %get3A_570 = vector.shape_cast %get3A_569 : vector<1x16xf32> to vector<16xf32>
          %mul3A_571 = vector.broadcast %squeeze3A_551 : f32 to vector<16xf32>
          %mul3A_572 = arith.mulf %get3A_570, %mul3A_571 : vector<16xf32>
          %swap3A_573 = arith.index_cast %add3A_555 : i32 to index
          %swap3A_574 = arith.constant 16 : index
          %swap3A_575 = tpu.vector_load %arg11[%swap3A_573, %swap3A_574] {strides = array<i32>} : memref<256x32xf32, #tpu.memory_space<vmem>>, vector<1x16xf32>,
          %swap3A_576 = vector.shape_cast %swap3A_575 : vector<1x16xf32> to vector<16xf32>
          %swap3A_577 = vector.shape_cast %mul3A_572 : vector<16xf32> to vector<1x16xf32>
          tpu.vector_store %arg11[%swap3A_573, %swap3A_574], %swap3A_577 {strides = array<i32>} : memref<256x32xf32, #tpu.memory_space<vmem>>, vector<1x16xf32>,
          %scan3A_578 = arith.constant 0 : i32
          scf.yield %scan3A_578 : i32
        }
        %scan3A_88 = arith.constant 16 : i32
        %dma_start3A_89 = arith.constant 0 : i32
        %dma_start3A_90 = tpu.memref_slice %arg9[%add3A_69, %dma_start3A_89] : memref<14x256xi32, #tpu.memory_space<vmem>> -> memref<1x256xi32, #tpu.memory_space<vmem>>
        %dma_start3A_91 = tpu.memref_squeeze %dma_start3A_90 : memref<1x256xi32, #tpu.memory_space<vmem>> -> memref<256xi32, #tpu.memory_space<vmem>>
        %dma_start3A_92 = arith.constant 0 : i32
        %dma_start3A_93 = arith.constant 0 : i32
        %dma_start3A_94 = tpu.memref_slice %arg13[%dma_start3A_92, %dma_start3A_93] : memref<50176x32xf32, #tpu.memory_space<vmem_shared>> -> memref<50176x32xf32, #tpu.memory_space<vmem_shared>>
        tpu.enqueue_indirect_dma source(%arg11 : memref<256x32xf32, #tpu.memory_space<vmem>>) target(%dma_start3A_94 : memref<50176x32xf32, #tpu.memory_space<vmem_shared>>) offsets(%dma_start3A_91 : memref<256xi32, #tpu.memory_space<vmem>>) semaphore(%arg16 : memref<!tpu.dma_semaphore, #tpu.memory_space<semaphore_mem>>) {add = true}
        %mul3A_95 = arith.constant 2 : i32
        %mul3A_96 = arith.muli %scan3A_64, %mul3A_95 : i32
        %add3A_97 = arith.constant 1 : i32
        %add3A_98 = arith.addi %mul3A_96, %add3A_97 : i32
        %dma_wait3A_99 = arith.constant 0 : i32
        %dma_wait3A_100 = tpu.memref_slice %arg8[%add3A_98, %dma_wait3A_99] : memref<14x256xi32, #tpu.memory_space<vmem>> -> memref<1x256xi32, #tpu.memory_space<vmem>>
        %dma_wait3A_101 = tpu.memref_squeeze %dma_wait3A_100 : memref<1x256xi32, #tpu.memory_space<vmem>> -> memref<256xi32, #tpu.memory_space<vmem>>
        %dma_wait3A_102 = arith.constant 0 : i32
        %dma_wait3A_103 = arith.constant 0 : i32
        %dma_wait3A_104 = tpu.memref_slice %arg5[%dma_wait3A_102, %dma_wait3A_103] : memref<50001x32xf32, #tpu.memory_space<hbm>> -> memref<50001x32xf32, #tpu.memory_space<hbm>>
        tpu.wait_indirect_dma semaphore(%arg15 : memref<!tpu.dma_semaphore, #tpu.memory_space<semaphore_mem>>) src(%dma_wait3A_104 : memref<50001x32xf32, #tpu.memory_space<hbm>>) dst(%arg12 : memref<256x32xf32, #tpu.memory_space<vmem>>)
        %add3A_105 = arith.constant 1 : i32
        %add3A_106 = arith.addi %add3A_98, %add3A_105 : i32
        %lt3A_107 = arith.constant 14 : i32
        %lt3A_108 = arith.cmpi slt, %add3A_106, %lt3A_107 : i32
        %convert_element_type3A_109 = arith.extui %lt3A_108 : i1 to i32
        %cond3A_110 = arith.constant 0 : i32
        %cond3A_111 = arith.cmpi ne, %convert_element_type3A_109, %cond3A_110 : i32
        scf.if %cond3A_111 {
          %ge3A = arith.constant 1 : i32
          %ge3A_126 = arith.cmpi sge, %add3A_98, %ge3A : i32
          %convert_element_type3A_127 = arith.extui %ge3A_126 : i1 to i32
          %cond3A_128 = arith.constant 0 : i32
          %cond3A_129 = arith.cmpi ne, %convert_element_type3A_127, %cond3A_128 : i32
          scf.if %cond3A_129 {
            %dma_wait3A_138 = arith.constant 0 : i32
            %dma_wait3A_139 = tpu.memref_slice %arg9[%add3A_98, %dma_wait3A_138] : memref<14x256xi32, #tpu.memory_space<vmem>> -> memref<1x256xi32, #tpu.memory_space<vmem>>
            %dma_wait3A_140 = tpu.memref_squeeze %dma_wait3A_139 : memref<1x256xi32, #tpu.memory_space<vmem>> -> memref<256xi32, #tpu.memory_space<vmem>>
            %dma_wait3A_141 = arith.constant 0 : i32
            %dma_wait3A_142 = arith.constant 0 : i32
            %dma_wait3A_143 = tpu.memref_slice %arg13[%dma_wait3A_141, %dma_wait3A_142] : memref<50176x32xf32, #tpu.memory_space<vmem_shared>> -> memref<50176x32xf32, #tpu.memory_space<vmem_shared>>
            tpu.wait_indirect_dma semaphore(%arg16 : memref<!tpu.dma_semaphore, #tpu.memory_space<semaphore_mem>>) src(%arg11 : memref<256x32xf32, #tpu.memory_space<vmem>>) dst(%dma_wait3A_143 : memref<50176x32xf32, #tpu.memory_space<vmem_shared>>)
          } else {
          }
          %add3A_130 = arith.constant 1 : i32
          %add3A_131 = arith.addi %add3A_98, %add3A_130 : i32
          %dma_start3A_132 = arith.constant 0 : i32
          %dma_start3A_133 = tpu.memref_slice %arg8[%add3A_131, %dma_start3A_132] : memref<14x256xi32, #tpu.memory_space<vmem>> -> memref<1x256xi32, #tpu.memory_space<vmem>>
          %dma_start3A_134 = tpu.memref_squeeze %dma_start3A_133 : memref<1x256xi32, #tpu.memory_space<vmem>> -> memref<256xi32, #tpu.memory_space<vmem>>
          %dma_start3A_135 = arith.constant 0 : i32
          %dma_start3A_136 = arith.constant 0 : i32
          %dma_start3A_137 = tpu.memref_slice %arg5[%dma_start3A_135, %dma_start3A_136] : memref<50001x32xf32, #tpu.memory_space<hbm>> -> memref<50001x32xf32, #tpu.memory_space<hbm>>
          tpu.enqueue_indirect_dma source(%dma_start3A_137 : memref<50001x32xf32, #tpu.memory_space<hbm>>) target(%arg11 : memref<256x32xf32, #tpu.memory_space<vmem>>) offsets(%dma_start3A_134 : memref<256xi32, #tpu.memory_space<vmem>>) semaphore(%arg14 : memref<!tpu.dma_semaphore, #tpu.memory_space<semaphore_mem>>)
        } else {
        }
        %scan3A_112 = arith.constant 0 : i32
        %scan3A_113 = arith.constant 0 : i32
        %scan3A_114 = arith.constant 16 : i32
        %scan3A_115 = arith.addi %scan3A_113, %scan3A_114 : i32
        %scan3A_116 = arith.constant 1 : i32
        %scan3A_117 = scf.for %scan3A_126 = %scan3A_113 to %scan3A_115 step %scan3A_116 iter_args(%scan3A_127 = %scan3A_112) -> (i32)  : i32 {
          %mul3A_128 = arith.constant 16 : i32
          %mul3A_129 = arith.muli %scan3A_126, %mul3A_128 : i32
          %get3A = arith.index_cast %add3A_98 : i32 to index
          %get3A_130 = arith.index_cast %mul3A_129 : i32 to index
          %get3A_131 = tpu.vector_load %arg10[%get3A, %get3A_130] {strides = array<i32>} : memref<14x256xf32, #tpu.memory_space<vmem>>, vector<1x16xf32>,
          %get3A_132 = vector.shape_cast %get3A_131 : vector<1x16xf32> to vector<16xf32>
          %slice3A = vector.extract_strided_slice %get3A_132 {offsets = [0], sizes = [1], strides = [1]} : vector<16xf32> to vector<1xf32>
          %squeeze3A = vector.extract %slice3A[0] : f32 from vector<1xf32>
          %mul3A_133 = arith.constant 16 : i32
          %mul3A_134 = arith.muli %scan3A_126, %mul3A_133 : i32
          %add3A_135 = arith.constant 0 : i32
          %add3A_136 = arith.addi %mul3A_134, %add3A_135 : i32
          %get3A_137 = arith.index_cast %add3A_136 : i32 to index
          %get3A_138 = arith.constant 0 : index
          %get3A_139 = tpu.vector_load %arg12[%get3A_137, %get3A_138] {strides = array<i32>} : memref<256x32xf32, #tpu.memory_space<vmem>>, vector<1x16xf32>,
          %get3A_140 = vector.shape_cast %get3A_139 : vector<1x16xf32> to vector<16xf32>
          %mul3A_141 = vector.broadcast %squeeze3A : f32 to vector<16xf32>
          %mul3A_142 = arith.mulf %get3A_140, %mul3A_141 : vector<16xf32>
          %swap3A = arith.index_cast %add3A_136 : i32 to index
          %swap3A_143 = arith.constant 0 : index
          %swap3A_144 = tpu.vector_load %arg12[%swap3A, %swap3A_143] {strides = array<i32>} : memref<256x32xf32, #tpu.memory_space<vmem>>, vector<1x16xf32>,
          %swap3A_145 = vector.shape_cast %swap3A_144 : vector<1x16xf32> to vector<16xf32>
          %swap3A_146 = vector.shape_cast %mul3A_142 : vector<16xf32> to vector<1x16xf32>
          tpu.vector_store %arg12[%swap3A, %swap3A_143], %swap3A_146 {strides = array<i32>} : memref<256x32xf32, #tpu.memory_space<vmem>>, vector<1x16xf32>,
          %get3A_147 = arith.index_cast %add3A_136 : i32 to index
          %get3A_148 = arith.constant 16 : index
          %get3A_149 = tpu.vector_load %arg12[%get3A_147, %get3A_148] {strides = array<i32>} : memref<256x32xf32, #tpu.memory_space<vmem>>, vector<1x16xf32>,
          %get3A_150 = vector.shape_cast %get3A_149 : vector<1x16xf32> to vector<16xf32>
          %mul3A_151 = vector.broadcast %squeeze3A : f32 to vector<16xf32>
          %mul3A_152 = arith.mulf %get3A_150, %mul3A_151 : vector<16xf32>
          %swap3A_153 = arith.index_cast %add3A_136 : i32 to index
          %swap3A_154 = arith.constant 16 : index
          %swap3A_155 = tpu.vector_load %arg12[%swap3A_153, %swap3A_154] {strides = array<i32>} : memref<256x32xf32, #tpu.memory_space<vmem>>, vector<1x16xf32>,
          %swap3A_156 = vector.shape_cast %swap3A_155 : vector<1x16xf32> to vector<16xf32>
          %swap3A_157 = vector.shape_cast %mul3A_152 : vector<16xf32> to vector<1x16xf32>
          tpu.vector_store %arg12[%swap3A_153, %swap3A_154], %swap3A_157 {strides = array<i32>} : memref<256x32xf32, #tpu.memory_space<vmem>>, vector<1x16xf32>,
          %slice3A_158 = vector.extract_strided_slice %get3A_132 {offsets = [1], sizes = [1], strides = [1]} : vector<16xf32> to vector<1xf32>
          %squeeze3A_159 = vector.extract %slice3A_158[0] : f32 from vector<1xf32>
          %mul3A_160 = arith.constant 16 : i32
          %mul3A_161 = arith.muli %scan3A_126, %mul3A_160 : i32
          %add3A_162 = arith.constant 1 : i32
          %add3A_163 = arith.addi %mul3A_161, %add3A_162 : i32
          %get3A_164 = arith.index_cast %add3A_163 : i32 to index
          %get3A_165 = arith.constant 0 : index
          %get3A_166 = tpu.vector_load %arg12[%get3A_164, %get3A_165] {strides = array<i32>} : memref<256x32xf32, #tpu.memory_space<vmem>>, vector<1x16xf32>,
          %get3A_167 = vector.shape_cast %get3A_166 : vector<1x16xf32> to vector<16xf32>
          %mul3A_168 = vector.broadcast %squeeze3A_159 : f32 to vector<16xf32>
          %mul3A_169 = arith.mulf %get3A_167, %mul3A_168 : vector<16xf32>
          %swap3A_170 = arith.index_cast %add3A_163 : i32 to index
          %swap3A_171 = arith.constant 0 : index
          %swap3A_172 = tpu.vector_load %arg12[%swap3A_170, %swap3A_171] {strides = array<i32>} : memref<256x32xf32, #tpu.memory_space<vmem>>, vector<1x16xf32>,
          %swap3A_173 = vector.shape_cast %swap3A_172 : vector<1x16xf32> to vector<16xf32>
          %swap3A_174 = vector.shape_cast %mul3A_169 : vector<16xf32> to vector<1x16xf32>
          tpu.vector_store %arg12[%swap3A_170, %swap3A_171], %swap3A_174 {strides = array<i32>} : memref<256x32xf32, #tpu.memory_space<vmem>>, vector<1x16xf32>,
          %get3A_175 = arith.index_cast %add3A_163 : i32 to index
          %get3A_176 = arith.constant 16 : index
          %get3A_177 = tpu.vector_load %arg12[%get3A_175, %get3A_176] {strides = array<i32>} : memref<256x32xf32, #tpu.memory_space<vmem>>, vector<1x16xf32>,
          %get3A_178 = vector.shape_cast %get3A_177 : vector<1x16xf32> to vector<16xf32>
          %mul3A_179 = vector.broadcast %squeeze3A_159 : f32 to vector<16xf32>
          %mul3A_180 = arith.mulf %get3A_178, %mul3A_179 : vector<16xf32>
          %swap3A_181 = arith.index_cast %add3A_163 : i32 to index
          %swap3A_182 = arith.constant 16 : index
          %swap3A_183 = tpu.vector_load %arg12[%swap3A_181, %swap3A_182] {strides = array<i32>} : memref<256x32xf32, #tpu.memory_space<vmem>>, vector<1x16xf32>,
          %swap3A_184 = vector.shape_cast %swap3A_183 : vector<1x16xf32> to vector<16xf32>
          %swap3A_185 = vector.shape_cast %mul3A_180 : vector<16xf32> to vector<1x16xf32>
          tpu.vector_store %arg12[%swap3A_181, %swap3A_182], %swap3A_185 {strides = array<i32>} : memref<256x32xf32, #tpu.memory_space<vmem>>, vector<1x16xf32>,
          %slice3A_186 = vector.extract_strided_slice %get3A_132 {offsets = [2], sizes = [1], strides = [1]} : vector<16xf32> to vector<1xf32>
          %squeeze3A_187 = vector.extract %slice3A_186[0] : f32 from vector<1xf32>
          %mul3A_188 = arith.constant 16 : i32
          %mul3A_189 = arith.muli %scan3A_126, %mul3A_188 : i32
          %add3A_190 = arith.constant 2 : i32
          %add3A_191 = arith.addi %mul3A_189, %add3A_190 : i32
          %get3A_192 = arith.index_cast %add3A_191 : i32 to index
          %get3A_193 = arith.constant 0 : index
          %get3A_194 = tpu.vector_load %arg12[%get3A_192, %get3A_193] {strides = array<i32>} : memref<256x32xf32, #tpu.memory_space<vmem>>, vector<1x16xf32>,
          %get3A_195 = vector.shape_cast %get3A_194 : vector<1x16xf32> to vector<16xf32>
          %mul3A_196 = vector.broadcast %squeeze3A_187 : f32 to vector<16xf32>
          %mul3A_197 = arith.mulf %get3A_195, %mul3A_196 : vector<16xf32>
          %swap3A_198 = arith.index_cast %add3A_191 : i32 to index
          %swap3A_199 = arith.constant 0 : index
          %swap3A_200 = tpu.vector_load %arg12[%swap3A_198, %swap3A_199] {strides = array<i32>} : memref<256x32xf32, #tpu.memory_space<vmem>>, vector<1x16xf32>,
          %swap3A_201 = vector.shape_cast %swap3A_200 : vector<1x16xf32> to vector<16xf32>
          %swap3A_202 = vector.shape_cast %mul3A_197 : vector<16xf32> to vector<1x16xf32>
          tpu.vector_store %arg12[%swap3A_198, %swap3A_199], %swap3A_202 {strides = array<i32>} : memref<256x32xf32, #tpu.memory_space<vmem>>, vector<1x16xf32>,
          %get3A_203 = arith.index_cast %add3A_191 : i32 to index
          %get3A_204 = arith.constant 16 : index
          %get3A_205 = tpu.vector_load %arg12[%get3A_203, %get3A_204] {strides = array<i32>} : memref<256x32xf32, #tpu.memory_space<vmem>>, vector<1x16xf32>,
          %get3A_206 = vector.shape_cast %get3A_205 : vector<1x16xf32> to vector<16xf32>
          %mul3A_207 = vector.broadcast %squeeze3A_187 : f32 to vector<16xf32>
          %mul3A_208 = arith.mulf %get3A_206, %mul3A_207 : vector<16xf32>
          %swap3A_209 = arith.index_cast %add3A_191 : i32 to index
          %swap3A_210 = arith.constant 16 : index
          %swap3A_211 = tpu.vector_load %arg12[%swap3A_209, %swap3A_210] {strides = array<i32>} : memref<256x32xf32, #tpu.memory_space<vmem>>, vector<1x16xf32>,
          %swap3A_212 = vector.shape_cast %swap3A_211 : vector<1x16xf32> to vector<16xf32>
          %swap3A_213 = vector.shape_cast %mul3A_208 : vector<16xf32> to vector<1x16xf32>
          tpu.vector_store %arg12[%swap3A_209, %swap3A_210], %swap3A_213 {strides = array<i32>} : memref<256x32xf32, #tpu.memory_space<vmem>>, vector<1x16xf32>,
          %slice3A_214 = vector.extract_strided_slice %get3A_132 {offsets = [3], sizes = [1], strides = [1]} : vector<16xf32> to vector<1xf32>
          %squeeze3A_215 = vector.extract %slice3A_214[0] : f32 from vector<1xf32>
          %mul3A_216 = arith.constant 16 : i32
          %mul3A_217 = arith.muli %scan3A_126, %mul3A_216 : i32
          %add3A_218 = arith.constant 3 : i32
          %add3A_219 = arith.addi %mul3A_217, %add3A_218 : i32
          %get3A_220 = arith.index_cast %add3A_219 : i32 to index
          %get3A_221 = arith.constant 0 : index
          %get3A_222 = tpu.vector_load %arg12[%get3A_220, %get3A_221] {strides = array<i32>} : memref<256x32xf32, #tpu.memory_space<vmem>>, vector<1x16xf32>,
          %get3A_223 = vector.shape_cast %get3A_222 : vector<1x16xf32> to vector<16xf32>
          %mul3A_224 = vector.broadcast %squeeze3A_215 : f32 to vector<16xf32>
          %mul3A_225 = arith.mulf %get3A_223, %mul3A_224 : vector<16xf32>
          %swap3A_226 = arith.index_cast %add3A_219 : i32 to index
          %swap3A_227 = arith.constant 0 : index
          %swap3A_228 = tpu.vector_load %arg12[%swap3A_226, %swap3A_227] {strides = array<i32>} : memref<256x32xf32, #tpu.memory_space<vmem>>, vector<1x16xf32>,
          %swap3A_229 = vector.shape_cast %swap3A_228 : vector<1x16xf32> to vector<16xf32>
          %swap3A_230 = vector.shape_cast %mul3A_225 : vector<16xf32> to vector<1x16xf32>
          tpu.vector_store %arg12[%swap3A_226, %swap3A_227], %swap3A_230 {strides = array<i32>} : memref<256x32xf32, #tpu.memory_space<vmem>>, vector<1x16xf32>,
          %get3A_231 = arith.index_cast %add3A_219 : i32 to index
          %get3A_232 = arith.constant 16 : index
          %get3A_233 = tpu.vector_load %arg12[%get3A_231, %get3A_232] {strides = array<i32>} : memref<256x32xf32, #tpu.memory_space<vmem>>, vector<1x16xf32>,
          %get3A_234 = vector.shape_cast %get3A_233 : vector<1x16xf32> to vector<16xf32>
          %mul3A_235 = vector.broadcast %squeeze3A_215 : f32 to vector<16xf32>
          %mul3A_236 = arith.mulf %get3A_234, %mul3A_235 : vector<16xf32>
          %swap3A_237 = arith.index_cast %add3A_219 : i32 to index
          %swap3A_238 = arith.constant 16 : index
          %swap3A_239 = tpu.vector_load %arg12[%swap3A_237, %swap3A_238] {strides = array<i32>} : memref<256x32xf32, #tpu.memory_space<vmem>>, vector<1x16xf32>,
          %swap3A_240 = vector.shape_cast %swap3A_239 : vector<1x16xf32> to vector<16xf32>
          %swap3A_241 = vector.shape_cast %mul3A_236 : vector<16xf32> to vector<1x16xf32>
          tpu.vector_store %arg12[%swap3A_237, %swap3A_238], %swap3A_241 {strides = array<i32>} : memref<256x32xf32, #tpu.memory_space<vmem>>, vector<1x16xf32>,
          %slice3A_242 = vector.extract_strided_slice %get3A_132 {offsets = [4], sizes = [1], strides = [1]} : vector<16xf32> to vector<1xf32>
          %squeeze3A_243 = vector.extract %slice3A_242[0] : f32 from vector<1xf32>
          %mul3A_244 = arith.constant 16 : i32
          %mul3A_245 = arith.muli %scan3A_126, %mul3A_244 : i32
          %add3A_246 = arith.constant 4 : i32
          %add3A_247 = arith.addi %mul3A_245, %add3A_246 : i32
          %get3A_248 = arith.index_cast %add3A_247 : i32 to index
          %get3A_249 = arith.constant 0 : index
          %get3A_250 = tpu.vector_load %arg12[%get3A_248, %get3A_249] {strides = array<i32>} : memref<256x32xf32, #tpu.memory_space<vmem>>, vector<1x16xf32>,
          %get3A_251 = vector.shape_cast %get3A_250 : vector<1x16xf32> to vector<16xf32>
          %mul3A_252 = vector.broadcast %squeeze3A_243 : f32 to vector<16xf32>
          %mul3A_253 = arith.mulf %get3A_251, %mul3A_252 : vector<16xf32>
          %swap3A_254 = arith.index_cast %add3A_247 : i32 to index
          %swap3A_255 = arith.constant 0 : index
          %swap3A_256 = tpu.vector_load %arg12[%swap3A_254, %swap3A_255] {strides = array<i32>} : memref<256x32xf32, #tpu.memory_space<vmem>>, vector<1x16xf32>,
          %swap3A_257 = vector.shape_cast %swap3A_256 : vector<1x16xf32> to vector<16xf32>
          %swap3A_258 = vector.shape_cast %mul3A_253 : vector<16xf32> to vector<1x16xf32>
          tpu.vector_store %arg12[%swap3A_254, %swap3A_255], %swap3A_258 {strides = array<i32>} : memref<256x32xf32, #tpu.memory_space<vmem>>, vector<1x16xf32>,
          %get3A_259 = arith.index_cast %add3A_247 : i32 to index
          %get3A_260 = arith.constant 16 : index
          %get3A_261 = tpu.vector_load %arg12[%get3A_259, %get3A_260] {strides = array<i32>} : memref<256x32xf32, #tpu.memory_space<vmem>>, vector<1x16xf32>,
          %get3A_262 = vector.shape_cast %get3A_261 : vector<1x16xf32> to vector<16xf32>
          %mul3A_263 = vector.broadcast %squeeze3A_243 : f32 to vector<16xf32>
          %mul3A_264 = arith.mulf %get3A_262, %mul3A_263 : vector<16xf32>
          %swap3A_265 = arith.index_cast %add3A_247 : i32 to index
          %swap3A_266 = arith.constant 16 : index
          %swap3A_267 = tpu.vector_load %arg12[%swap3A_265, %swap3A_266] {strides = array<i32>} : memref<256x32xf32, #tpu.memory_space<vmem>>, vector<1x16xf32>,
          %swap3A_268 = vector.shape_cast %swap3A_267 : vector<1x16xf32> to vector<16xf32>
          %swap3A_269 = vector.shape_cast %mul3A_264 : vector<16xf32> to vector<1x16xf32>
          tpu.vector_store %arg12[%swap3A_265, %swap3A_266], %swap3A_269 {strides = array<i32>} : memref<256x32xf32, #tpu.memory_space<vmem>>, vector<1x16xf32>,
          %slice3A_270 = vector.extract_strided_slice %get3A_132 {offsets = [5], sizes = [1], strides = [1]} : vector<16xf32> to vector<1xf32>
          %squeeze3A_271 = vector.extract %slice3A_270[0] : f32 from vector<1xf32>
          %mul3A_272 = arith.constant 16 : i32
          %mul3A_273 = arith.muli %scan3A_126, %mul3A_272 : i32
          %add3A_274 = arith.constant 5 : i32
          %add3A_275 = arith.addi %mul3A_273, %add3A_274 : i32
          %get3A_276 = arith.index_cast %add3A_275 : i32 to index
          %get3A_277 = arith.constant 0 : index
          %get3A_278 = tpu.vector_load %arg12[%get3A_276, %get3A_277] {strides = array<i32>} : memref<256x32xf32, #tpu.memory_space<vmem>>, vector<1x16xf32>,
          %get3A_279 = vector.shape_cast %get3A_278 : vector<1x16xf32> to vector<16xf32>
          %mul3A_280 = vector.broadcast %squeeze3A_271 : f32 to vector<16xf32>
          %mul3A_281 = arith.mulf %get3A_279, %mul3A_280 : vector<16xf32>
          %swap3A_282 = arith.index_cast %add3A_275 : i32 to index
          %swap3A_283 = arith.constant 0 : index
          %swap3A_284 = tpu.vector_load %arg12[%swap3A_282, %swap3A_283] {strides = array<i32>} : memref<256x32xf32, #tpu.memory_space<vmem>>, vector<1x16xf32>,
          %swap3A_285 = vector.shape_cast %swap3A_284 : vector<1x16xf32> to vector<16xf32>
          %swap3A_286 = vector.shape_cast %mul3A_281 : vector<16xf32> to vector<1x16xf32>
          tpu.vector_store %arg12[%swap3A_282, %swap3A_283], %swap3A_286 {strides = array<i32>} : memref<256x32xf32, #tpu.memory_space<vmem>>, vector<1x16xf32>,
          %get3A_287 = arith.index_cast %add3A_275 : i32 to index
          %get3A_288 = arith.constant 16 : index
          %get3A_289 = tpu.vector_load %arg12[%get3A_287, %get3A_288] {strides = array<i32>} : memref<256x32xf32, #tpu.memory_space<vmem>>, vector<1x16xf32>,
          %get3A_290 = vector.shape_cast %get3A_289 : vector<1x16xf32> to vector<16xf32>
          %mul3A_291 = vector.broadcast %squeeze3A_271 : f32 to vector<16xf32>
          %mul3A_292 = arith.mulf %get3A_290, %mul3A_291 : vector<16xf32>
          %swap3A_293 = arith.index_cast %add3A_275 : i32 to index
          %swap3A_294 = arith.constant 16 : index
          %swap3A_295 = tpu.vector_load %arg12[%swap3A_293, %swap3A_294] {strides = array<i32>} : memref<256x32xf32, #tpu.memory_space<vmem>>, vector<1x16xf32>,
          %swap3A_296 = vector.shape_cast %swap3A_295 : vector<1x16xf32> to vector<16xf32>
          %swap3A_297 = vector.shape_cast %mul3A_292 : vector<16xf32> to vector<1x16xf32>
          tpu.vector_store %arg12[%swap3A_293, %swap3A_294], %swap3A_297 {strides = array<i32>} : memref<256x32xf32, #tpu.memory_space<vmem>>, vector<1x16xf32>,
          %slice3A_298 = vector.extract_strided_slice %get3A_132 {offsets = [6], sizes = [1], strides = [1]} : vector<16xf32> to vector<1xf32>
          %squeeze3A_299 = vector.extract %slice3A_298[0] : f32 from vector<1xf32>
          %mul3A_300 = arith.constant 16 : i32
          %mul3A_301 = arith.muli %scan3A_126, %mul3A_300 : i32
          %add3A_302 = arith.constant 6 : i32
          %add3A_303 = arith.addi %mul3A_301, %add3A_302 : i32
          %get3A_304 = arith.index_cast %add3A_303 : i32 to index
          %get3A_305 = arith.constant 0 : index
          %get3A_306 = tpu.vector_load %arg12[%get3A_304, %get3A_305] {strides = array<i32>} : memref<256x32xf32, #tpu.memory_space<vmem>>, vector<1x16xf32>,
          %get3A_307 = vector.shape_cast %get3A_306 : vector<1x16xf32> to vector<16xf32>
          %mul3A_308 = vector.broadcast %squeeze3A_299 : f32 to vector<16xf32>
          %mul3A_309 = arith.mulf %get3A_307, %mul3A_308 : vector<16xf32>
          %swap3A_310 = arith.index_cast %add3A_303 : i32 to index
          %swap3A_311 = arith.constant 0 : index
          %swap3A_312 = tpu.vector_load %arg12[%swap3A_310, %swap3A_311] {strides = array<i32>} : memref<256x32xf32, #tpu.memory_space<vmem>>, vector<1x16xf32>,
          %swap3A_313 = vector.shape_cast %swap3A_312 : vector<1x16xf32> to vector<16xf32>
          %swap3A_314 = vector.shape_cast %mul3A_309 : vector<16xf32> to vector<1x16xf32>
          tpu.vector_store %arg12[%swap3A_310, %swap3A_311], %swap3A_314 {strides = array<i32>} : memref<256x32xf32, #tpu.memory_space<vmem>>, vector<1x16xf32>,
          %get3A_315 = arith.index_cast %add3A_303 : i32 to index
          %get3A_316 = arith.constant 16 : index
          %get3A_317 = tpu.vector_load %arg12[%get3A_315, %get3A_316] {strides = array<i32>} : memref<256x32xf32, #tpu.memory_space<vmem>>, vector<1x16xf32>,
          %get3A_318 = vector.shape_cast %get3A_317 : vector<1x16xf32> to vector<16xf32>
          %mul3A_319 = vector.broadcast %squeeze3A_299 : f32 to vector<16xf32>
          %mul3A_320 = arith.mulf %get3A_318, %mul3A_319 : vector<16xf32>
          %swap3A_321 = arith.index_cast %add3A_303 : i32 to index
          %swap3A_322 = arith.constant 16 : index
          %swap3A_323 = tpu.vector_load %arg12[%swap3A_321, %swap3A_322] {strides = array<i32>} : memref<256x32xf32, #tpu.memory_space<vmem>>, vector<1x16xf32>,
          %swap3A_324 = vector.shape_cast %swap3A_323 : vector<1x16xf32> to vector<16xf32>
          %swap3A_325 = vector.shape_cast %mul3A_320 : vector<16xf32> to vector<1x16xf32>
          tpu.vector_store %arg12[%swap3A_321, %swap3A_322], %swap3A_325 {strides = array<i32>} : memref<256x32xf32, #tpu.memory_space<vmem>>, vector<1x16xf32>,
          %slice3A_326 = vector.extract_strided_slice %get3A_132 {offsets = [7], sizes = [1], strides = [1]} : vector<16xf32> to vector<1xf32>
          %squeeze3A_327 = vector.extract %slice3A_326[0] : f32 from vector<1xf32>
          %mul3A_328 = arith.constant 16 : i32
          %mul3A_329 = arith.muli %scan3A_126, %mul3A_328 : i32
          %add3A_330 = arith.constant 7 : i32
          %add3A_331 = arith.addi %mul3A_329, %add3A_330 : i32
          %get3A_332 = arith.index_cast %add3A_331 : i32 to index
          %get3A_333 = arith.constant 0 : index
          %get3A_334 = tpu.vector_load %arg12[%get3A_332, %get3A_333] {strides = array<i32>} : memref<256x32xf32, #tpu.memory_space<vmem>>, vector<1x16xf32>,
          %get3A_335 = vector.shape_cast %get3A_334 : vector<1x16xf32> to vector<16xf32>
          %mul3A_336 = vector.broadcast %squeeze3A_327 : f32 to vector<16xf32>
          %mul3A_337 = arith.mulf %get3A_335, %mul3A_336 : vector<16xf32>
          %swap3A_338 = arith.index_cast %add3A_331 : i32 to index
          %swap3A_339 = arith.constant 0 : index
          %swap3A_340 = tpu.vector_load %arg12[%swap3A_338, %swap3A_339] {strides = array<i32>} : memref<256x32xf32, #tpu.memory_space<vmem>>, vector<1x16xf32>,
          %swap3A_341 = vector.shape_cast %swap3A_340 : vector<1x16xf32> to vector<16xf32>
          %swap3A_342 = vector.shape_cast %mul3A_337 : vector<16xf32> to vector<1x16xf32>
          tpu.vector_store %arg12[%swap3A_338, %swap3A_339], %swap3A_342 {strides = array<i32>} : memref<256x32xf32, #tpu.memory_space<vmem>>, vector<1x16xf32>,
          %get3A_343 = arith.index_cast %add3A_331 : i32 to index
          %get3A_344 = arith.constant 16 : index
          %get3A_345 = tpu.vector_load %arg12[%get3A_343, %get3A_344] {strides = array<i32>} : memref<256x32xf32, #tpu.memory_space<vmem>>, vector<1x16xf32>,
          %get3A_346 = vector.shape_cast %get3A_345 : vector<1x16xf32> to vector<16xf32>
          %mul3A_347 = vector.broadcast %squeeze3A_327 : f32 to vector<16xf32>
          %mul3A_348 = arith.mulf %get3A_346, %mul3A_347 : vector<16xf32>
          %swap3A_349 = arith.index_cast %add3A_331 : i32 to index
          %swap3A_350 = arith.constant 16 : index
          %swap3A_351 = tpu.vector_load %arg12[%swap3A_349, %swap3A_350] {strides = array<i32>} : memref<256x32xf32, #tpu.memory_space<vmem>>, vector<1x16xf32>,
          %swap3A_352 = vector.shape_cast %swap3A_351 : vector<1x16xf32> to vector<16xf32>
          %swap3A_353 = vector.shape_cast %mul3A_348 : vector<16xf32> to vector<1x16xf32>
          tpu.vector_store %arg12[%swap3A_349, %swap3A_350], %swap3A_353 {strides = array<i32>} : memref<256x32xf32, #tpu.memory_space<vmem>>, vector<1x16xf32>,
          %slice3A_354 = vector.extract_strided_slice %get3A_132 {offsets = [8], sizes = [1], strides = [1]} : vector<16xf32> to vector<1xf32>
          %squeeze3A_355 = vector.extract %slice3A_354[0] : f32 from vector<1xf32>
          %mul3A_356 = arith.constant 16 : i32
          %mul3A_357 = arith.muli %scan3A_126, %mul3A_356 : i32
          %add3A_358 = arith.constant 8 : i32
          %add3A_359 = arith.addi %mul3A_357, %add3A_358 : i32
          %get3A_360 = arith.index_cast %add3A_359 : i32 to index
          %get3A_361 = arith.constant 0 : index
          %get3A_362 = tpu.vector_load %arg12[%get3A_360, %get3A_361] {strides = array<i32>} : memref<256x32xf32, #tpu.memory_space<vmem>>, vector<1x16xf32>,
          %get3A_363 = vector.shape_cast %get3A_362 : vector<1x16xf32> to vector<16xf32>
          %mul3A_364 = vector.broadcast %squeeze3A_355 : f32 to vector<16xf32>
          %mul3A_365 = arith.mulf %get3A_363, %mul3A_364 : vector<16xf32>
          %swap3A_366 = arith.index_cast %add3A_359 : i32 to index
          %swap3A_367 = arith.constant 0 : index
          %swap3A_368 = tpu.vector_load %arg12[%swap3A_366, %swap3A_367] {strides = array<i32>} : memref<256x32xf32, #tpu.memory_space<vmem>>, vector<1x16xf32>,
          %swap3A_369 = vector.shape_cast %swap3A_368 : vector<1x16xf32> to vector<16xf32>
          %swap3A_370 = vector.shape_cast %mul3A_365 : vector<16xf32> to vector<1x16xf32>
          tpu.vector_store %arg12[%swap3A_366, %swap3A_367], %swap3A_370 {strides = array<i32>} : memref<256x32xf32, #tpu.memory_space<vmem>>, vector<1x16xf32>,
          %get3A_371 = arith.index_cast %add3A_359 : i32 to index
          %get3A_372 = arith.constant 16 : index
          %get3A_373 = tpu.vector_load %arg12[%get3A_371, %get3A_372] {strides = array<i32>} : memref<256x32xf32, #tpu.memory_space<vmem>>, vector<1x16xf32>,
          %get3A_374 = vector.shape_cast %get3A_373 : vector<1x16xf32> to vector<16xf32>
          %mul3A_375 = vector.broadcast %squeeze3A_355 : f32 to vector<16xf32>
          %mul3A_376 = arith.mulf %get3A_374, %mul3A_375 : vector<16xf32>
          %swap3A_377 = arith.index_cast %add3A_359 : i32 to index
          %swap3A_378 = arith.constant 16 : index
          %swap3A_379 = tpu.vector_load %arg12[%swap3A_377, %swap3A_378] {strides = array<i32>} : memref<256x32xf32, #tpu.memory_space<vmem>>, vector<1x16xf32>,
          %swap3A_380 = vector.shape_cast %swap3A_379 : vector<1x16xf32> to vector<16xf32>
          %swap3A_381 = vector.shape_cast %mul3A_376 : vector<16xf32> to vector<1x16xf32>
          tpu.vector_store %arg12[%swap3A_377, %swap3A_378], %swap3A_381 {strides = array<i32>} : memref<256x32xf32, #tpu.memory_space<vmem>>, vector<1x16xf32>,
          %slice3A_382 = vector.extract_strided_slice %get3A_132 {offsets = [9], sizes = [1], strides = [1]} : vector<16xf32> to vector<1xf32>
          %squeeze3A_383 = vector.extract %slice3A_382[0] : f32 from vector<1xf32>
          %mul3A_384 = arith.constant 16 : i32
          %mul3A_385 = arith.muli %scan3A_126, %mul3A_384 : i32
          %add3A_386 = arith.constant 9 : i32
          %add3A_387 = arith.addi %mul3A_385, %add3A_386 : i32
          %get3A_388 = arith.index_cast %add3A_387 : i32 to index
          %get3A_389 = arith.constant 0 : index
          %get3A_390 = tpu.vector_load %arg12[%get3A_388, %get3A_389] {strides = array<i32>} : memref<256x32xf32, #tpu.memory_space<vmem>>, vector<1x16xf32>,
          %get3A_391 = vector.shape_cast %get3A_390 : vector<1x16xf32> to vector<16xf32>
          %mul3A_392 = vector.broadcast %squeeze3A_383 : f32 to vector<16xf32>
          %mul3A_393 = arith.mulf %get3A_391, %mul3A_392 : vector<16xf32>
          %swap3A_394 = arith.index_cast %add3A_387 : i32 to index
          %swap3A_395 = arith.constant 0 : index
          %swap3A_396 = tpu.vector_load %arg12[%swap3A_394, %swap3A_395] {strides = array<i32>} : memref<256x32xf32, #tpu.memory_space<vmem>>, vector<1x16xf32>,
          %swap3A_397 = vector.shape_cast %swap3A_396 : vector<1x16xf32> to vector<16xf32>
          %swap3A_398 = vector.shape_cast %mul3A_393 : vector<16xf32> to vector<1x16xf32>
          tpu.vector_store %arg12[%swap3A_394, %swap3A_395], %swap3A_398 {strides = array<i32>} : memref<256x32xf32, #tpu.memory_space<vmem>>, vector<1x16xf32>,
          %get3A_399 = arith.index_cast %add3A_387 : i32 to index
          %get3A_400 = arith.constant 16 : index
          %get3A_401 = tpu.vector_load %arg12[%get3A_399, %get3A_400] {strides = array<i32>} : memref<256x32xf32, #tpu.memory_space<vmem>>, vector<1x16xf32>,
          %get3A_402 = vector.shape_cast %get3A_401 : vector<1x16xf32> to vector<16xf32>
          %mul3A_403 = vector.broadcast %squeeze3A_383 : f32 to vector<16xf32>
          %mul3A_404 = arith.mulf %get3A_402, %mul3A_403 : vector<16xf32>
          %swap3A_405 = arith.index_cast %add3A_387 : i32 to index
          %swap3A_406 = arith.constant 16 : index
          %swap3A_407 = tpu.vector_load %arg12[%swap3A_405, %swap3A_406] {strides = array<i32>} : memref<256x32xf32, #tpu.memory_space<vmem>>, vector<1x16xf32>,
          %swap3A_408 = vector.shape_cast %swap3A_407 : vector<1x16xf32> to vector<16xf32>
          %swap3A_409 = vector.shape_cast %mul3A_404 : vector<16xf32> to vector<1x16xf32>
          tpu.vector_store %arg12[%swap3A_405, %swap3A_406], %swap3A_409 {strides = array<i32>} : memref<256x32xf32, #tpu.memory_space<vmem>>, vector<1x16xf32>,
          %slice3A_410 = vector.extract_strided_slice %get3A_132 {offsets = [10], sizes = [1], strides = [1]} : vector<16xf32> to vector<1xf32>
          %squeeze3A_411 = vector.extract %slice3A_410[0] : f32 from vector<1xf32>
          %mul3A_412 = arith.constant 16 : i32
          %mul3A_413 = arith.muli %scan3A_126, %mul3A_412 : i32
          %add3A_414 = arith.constant 10 : i32
          %add3A_415 = arith.addi %mul3A_413, %add3A_414 : i32
          %get3A_416 = arith.index_cast %add3A_415 : i32 to index
          %get3A_417 = arith.constant 0 : index
          %get3A_418 = tpu.vector_load %arg12[%get3A_416, %get3A_417] {strides = array<i32>} : memref<256x32xf32, #tpu.memory_space<vmem>>, vector<1x16xf32>,
          %get3A_419 = vector.shape_cast %get3A_418 : vector<1x16xf32> to vector<16xf32>
          %mul3A_420 = vector.broadcast %squeeze3A_411 : f32 to vector<16xf32>
          %mul3A_421 = arith.mulf %get3A_419, %mul3A_420 : vector<16xf32>
          %swap3A_422 = arith.index_cast %add3A_415 : i32 to index
          %swap3A_423 = arith.constant 0 : index
          %swap3A_424 = tpu.vector_load %arg12[%swap3A_422, %swap3A_423] {strides = array<i32>} : memref<256x32xf32, #tpu.memory_space<vmem>>, vector<1x16xf32>,
          %swap3A_425 = vector.shape_cast %swap3A_424 : vector<1x16xf32> to vector<16xf32>
          %swap3A_426 = vector.shape_cast %mul3A_421 : vector<16xf32> to vector<1x16xf32>
          tpu.vector_store %arg12[%swap3A_422, %swap3A_423], %swap3A_426 {strides = array<i32>} : memref<256x32xf32, #tpu.memory_space<vmem>>, vector<1x16xf32>,
          %get3A_427 = arith.index_cast %add3A_415 : i32 to index
          %get3A_428 = arith.constant 16 : index
          %get3A_429 = tpu.vector_load %arg12[%get3A_427, %get3A_428] {strides = array<i32>} : memref<256x32xf32, #tpu.memory_space<vmem>>, vector<1x16xf32>,
          %get3A_430 = vector.shape_cast %get3A_429 : vector<1x16xf32> to vector<16xf32>
          %mul3A_431 = vector.broadcast %squeeze3A_411 : f32 to vector<16xf32>
          %mul3A_432 = arith.mulf %get3A_430, %mul3A_431 : vector<16xf32>
          %swap3A_433 = arith.index_cast %add3A_415 : i32 to index
          %swap3A_434 = arith.constant 16 : index
          %swap3A_435 = tpu.vector_load %arg12[%swap3A_433, %swap3A_434] {strides = array<i32>} : memref<256x32xf32, #tpu.memory_space<vmem>>, vector<1x16xf32>,
          %swap3A_436 = vector.shape_cast %swap3A_435 : vector<1x16xf32> to vector<16xf32>
          %swap3A_437 = vector.shape_cast %mul3A_432 : vector<16xf32> to vector<1x16xf32>
          tpu.vector_store %arg12[%swap3A_433, %swap3A_434], %swap3A_437 {strides = array<i32>} : memref<256x32xf32, #tpu.memory_space<vmem>>, vector<1x16xf32>,
          %slice3A_438 = vector.extract_strided_slice %get3A_132 {offsets = [11], sizes = [1], strides = [1]} : vector<16xf32> to vector<1xf32>
          %squeeze3A_439 = vector.extract %slice3A_438[0] : f32 from vector<1xf32>
          %mul3A_440 = arith.constant 16 : i32
          %mul3A_441 = arith.muli %scan3A_126, %mul3A_440 : i32
          %add3A_442 = arith.constant 11 : i32
          %add3A_443 = arith.addi %mul3A_441, %add3A_442 : i32
          %get3A_444 = arith.index_cast %add3A_443 : i32 to index
          %get3A_445 = arith.constant 0 : index
          %get3A_446 = tpu.vector_load %arg12[%get3A_444, %get3A_445] {strides = array<i32>} : memref<256x32xf32, #tpu.memory_space<vmem>>, vector<1x16xf32>,
          %get3A_447 = vector.shape_cast %get3A_446 : vector<1x16xf32> to vector<16xf32>
          %mul3A_448 = vector.broadcast %squeeze3A_439 : f32 to vector<16xf32>
          %mul3A_449 = arith.mulf %get3A_447, %mul3A_448 : vector<16xf32>
          %swap3A_450 = arith.index_cast %add3A_443 : i32 to index
          %swap3A_451 = arith.constant 0 : index
          %swap3A_452 = tpu.vector_load %arg12[%swap3A_450, %swap3A_451] {strides = array<i32>} : memref<256x32xf32, #tpu.memory_space<vmem>>, vector<1x16xf32>,
          %swap3A_453 = vector.shape_cast %swap3A_452 : vector<1x16xf32> to vector<16xf32>
          %swap3A_454 = vector.shape_cast %mul3A_449 : vector<16xf32> to vector<1x16xf32>
          tpu.vector_store %arg12[%swap3A_450, %swap3A_451], %swap3A_454 {strides = array<i32>} : memref<256x32xf32, #tpu.memory_space<vmem>>, vector<1x16xf32>,
          %get3A_455 = arith.index_cast %add3A_443 : i32 to index
          %get3A_456 = arith.constant 16 : index
          %get3A_457 = tpu.vector_load %arg12[%get3A_455, %get3A_456] {strides = array<i32>} : memref<256x32xf32, #tpu.memory_space<vmem>>, vector<1x16xf32>,
          %get3A_458 = vector.shape_cast %get3A_457 : vector<1x16xf32> to vector<16xf32>
          %mul3A_459 = vector.broadcast %squeeze3A_439 : f32 to vector<16xf32>
          %mul3A_460 = arith.mulf %get3A_458, %mul3A_459 : vector<16xf32>
          %swap3A_461 = arith.index_cast %add3A_443 : i32 to index
          %swap3A_462 = arith.constant 16 : index
          %swap3A_463 = tpu.vector_load %arg12[%swap3A_461, %swap3A_462] {strides = array<i32>} : memref<256x32xf32, #tpu.memory_space<vmem>>, vector<1x16xf32>,
          %swap3A_464 = vector.shape_cast %swap3A_463 : vector<1x16xf32> to vector<16xf32>
          %swap3A_465 = vector.shape_cast %mul3A_460 : vector<16xf32> to vector<1x16xf32>
          tpu.vector_store %arg12[%swap3A_461, %swap3A_462], %swap3A_465 {strides = array<i32>} : memref<256x32xf32, #tpu.memory_space<vmem>>, vector<1x16xf32>,
          %slice3A_466 = vector.extract_strided_slice %get3A_132 {offsets = [12], sizes = [1], strides = [1]} : vector<16xf32> to vector<1xf32>
          %squeeze3A_467 = vector.extract %slice3A_466[0] : f32 from vector<1xf32>
          %mul3A_468 = arith.constant 16 : i32
          %mul3A_469 = arith.muli %scan3A_126, %mul3A_468 : i32
          %add3A_470 = arith.constant 12 : i32
          %add3A_471 = arith.addi %mul3A_469, %add3A_470 : i32
          %get3A_472 = arith.index_cast %add3A_471 : i32 to index
          %get3A_473 = arith.constant 0 : index
          %get3A_474 = tpu.vector_load %arg12[%get3A_472, %get3A_473] {strides = array<i32>} : memref<256x32xf32, #tpu.memory_space<vmem>>, vector<1x16xf32>,
          %get3A_475 = vector.shape_cast %get3A_474 : vector<1x16xf32> to vector<16xf32>
          %mul3A_476 = vector.broadcast %squeeze3A_467 : f32 to vector<16xf32>
          %mul3A_477 = arith.mulf %get3A_475, %mul3A_476 : vector<16xf32>
          %swap3A_478 = arith.index_cast %add3A_471 : i32 to index
          %swap3A_479 = arith.constant 0 : index
          %swap3A_480 = tpu.vector_load %arg12[%swap3A_478, %swap3A_479] {strides = array<i32>} : memref<256x32xf32, #tpu.memory_space<vmem>>, vector<1x16xf32>,
          %swap3A_481 = vector.shape_cast %swap3A_480 : vector<1x16xf32> to vector<16xf32>
          %swap3A_482 = vector.shape_cast %mul3A_477 : vector<16xf32> to vector<1x16xf32>
          tpu.vector_store %arg12[%swap3A_478, %swap3A_479], %swap3A_482 {strides = array<i32>} : memref<256x32xf32, #tpu.memory_space<vmem>>, vector<1x16xf32>,
          %get3A_483 = arith.index_cast %add3A_471 : i32 to index
          %get3A_484 = arith.constant 16 : index
          %get3A_485 = tpu.vector_load %arg12[%get3A_483, %get3A_484] {strides = array<i32>} : memref<256x32xf32, #tpu.memory_space<vmem>>, vector<1x16xf32>,
          %get3A_486 = vector.shape_cast %get3A_485 : vector<1x16xf32> to vector<16xf32>
          %mul3A_487 = vector.broadcast %squeeze3A_467 : f32 to vector<16xf32>
          %mul3A_488 = arith.mulf %get3A_486, %mul3A_487 : vector<16xf32>
          %swap3A_489 = arith.index_cast %add3A_471 : i32 to index
          %swap3A_490 = arith.constant 16 : index
          %swap3A_491 = tpu.vector_load %arg12[%swap3A_489, %swap3A_490] {strides = array<i32>} : memref<256x32xf32, #tpu.memory_space<vmem>>, vector<1x16xf32>,
          %swap3A_492 = vector.shape_cast %swap3A_491 : vector<1x16xf32> to vector<16xf32>
          %swap3A_493 = vector.shape_cast %mul3A_488 : vector<16xf32> to vector<1x16xf32>
          tpu.vector_store %arg12[%swap3A_489, %swap3A_490], %swap3A_493 {strides = array<i32>} : memref<256x32xf32, #tpu.memory_space<vmem>>, vector<1x16xf32>,
          %slice3A_494 = vector.extract_strided_slice %get3A_132 {offsets = [13], sizes = [1], strides = [1]} : vector<16xf32> to vector<1xf32>
          %squeeze3A_495 = vector.extract %slice3A_494[0] : f32 from vector<1xf32>
          %mul3A_496 = arith.constant 16 : i32
          %mul3A_497 = arith.muli %scan3A_126, %mul3A_496 : i32
          %add3A_498 = arith.constant 13 : i32
          %add3A_499 = arith.addi %mul3A_497, %add3A_498 : i32
          %get3A_500 = arith.index_cast %add3A_499 : i32 to index
          %get3A_501 = arith.constant 0 : index
          %get3A_502 = tpu.vector_load %arg12[%get3A_500, %get3A_501] {strides = array<i32>} : memref<256x32xf32, #tpu.memory_space<vmem>>, vector<1x16xf32>,
          %get3A_503 = vector.shape_cast %get3A_502 : vector<1x16xf32> to vector<16xf32>
          %mul3A_504 = vector.broadcast %squeeze3A_495 : f32 to vector<16xf32>
          %mul3A_505 = arith.mulf %get3A_503, %mul3A_504 : vector<16xf32>
          %swap3A_506 = arith.index_cast %add3A_499 : i32 to index
          %swap3A_507 = arith.constant 0 : index
          %swap3A_508 = tpu.vector_load %arg12[%swap3A_506, %swap3A_507] {strides = array<i32>} : memref<256x32xf32, #tpu.memory_space<vmem>>, vector<1x16xf32>,
          %swap3A_509 = vector.shape_cast %swap3A_508 : vector<1x16xf32> to vector<16xf32>
          %swap3A_510 = vector.shape_cast %mul3A_505 : vector<16xf32> to vector<1x16xf32>
          tpu.vector_store %arg12[%swap3A_506, %swap3A_507], %swap3A_510 {strides = array<i32>} : memref<256x32xf32, #tpu.memory_space<vmem>>, vector<1x16xf32>,
          %get3A_511 = arith.index_cast %add3A_499 : i32 to index
          %get3A_512 = arith.constant 16 : index
          %get3A_513 = tpu.vector_load %arg12[%get3A_511, %get3A_512] {strides = array<i32>} : memref<256x32xf32, #tpu.memory_space<vmem>>, vector<1x16xf32>,
          %get3A_514 = vector.shape_cast %get3A_513 : vector<1x16xf32> to vector<16xf32>
          %mul3A_515 = vector.broadcast %squeeze3A_495 : f32 to vector<16xf32>
          %mul3A_516 = arith.mulf %get3A_514, %mul3A_515 : vector<16xf32>
          %swap3A_517 = arith.index_cast %add3A_499 : i32 to index
          %swap3A_518 = arith.constant 16 : index
          %swap3A_519 = tpu.vector_load %arg12[%swap3A_517, %swap3A_518] {strides = array<i32>} : memref<256x32xf32, #tpu.memory_space<vmem>>, vector<1x16xf32>,
          %swap3A_520 = vector.shape_cast %swap3A_519 : vector<1x16xf32> to vector<16xf32>
          %swap3A_521 = vector.shape_cast %mul3A_516 : vector<16xf32> to vector<1x16xf32>
          tpu.vector_store %arg12[%swap3A_517, %swap3A_518], %swap3A_521 {strides = array<i32>} : memref<256x32xf32, #tpu.memory_space<vmem>>, vector<1x16xf32>,
          %slice3A_522 = vector.extract_strided_slice %get3A_132 {offsets = [14], sizes = [1], strides = [1]} : vector<16xf32> to vector<1xf32>
          %squeeze3A_523 = vector.extract %slice3A_522[0] : f32 from vector<1xf32>
          %mul3A_524 = arith.constant 16 : i32
          %mul3A_525 = arith.muli %scan3A_126, %mul3A_524 : i32
          %add3A_526 = arith.constant 14 : i32
          %add3A_527 = arith.addi %mul3A_525, %add3A_526 : i32
          %get3A_528 = arith.index_cast %add3A_527 : i32 to index
          %get3A_529 = arith.constant 0 : index
          %get3A_530 = tpu.vector_load %arg12[%get3A_528, %get3A_529] {strides = array<i32>} : memref<256x32xf32, #tpu.memory_space<vmem>>, vector<1x16xf32>,
          %get3A_531 = vector.shape_cast %get3A_530 : vector<1x16xf32> to vector<16xf32>
          %mul3A_532 = vector.broadcast %squeeze3A_523 : f32 to vector<16xf32>
          %mul3A_533 = arith.mulf %get3A_531, %mul3A_532 : vector<16xf32>
          %swap3A_534 = arith.index_cast %add3A_527 : i32 to index
          %swap3A_535 = arith.constant 0 : index
          %swap3A_536 = tpu.vector_load %arg12[%swap3A_534, %swap3A_535] {strides = array<i32>} : memref<256x32xf32, #tpu.memory_space<vmem>>, vector<1x16xf32>,
          %swap3A_537 = vector.shape_cast %swap3A_536 : vector<1x16xf32> to vector<16xf32>
          %swap3A_538 = vector.shape_cast %mul3A_533 : vector<16xf32> to vector<1x16xf32>
          tpu.vector_store %arg12[%swap3A_534, %swap3A_535], %swap3A_538 {strides = array<i32>} : memref<256x32xf32, #tpu.memory_space<vmem>>, vector<1x16xf32>,
          %get3A_539 = arith.index_cast %add3A_527 : i32 to index
          %get3A_540 = arith.constant 16 : index
          %get3A_541 = tpu.vector_load %arg12[%get3A_539, %get3A_540] {strides = array<i32>} : memref<256x32xf32, #tpu.memory_space<vmem>>, vector<1x16xf32>,
          %get3A_542 = vector.shape_cast %get3A_541 : vector<1x16xf32> to vector<16xf32>
          %mul3A_543 = vector.broadcast %squeeze3A_523 : f32 to vector<16xf32>
          %mul3A_544 = arith.mulf %get3A_542, %mul3A_543 : vector<16xf32>
          %swap3A_545 = arith.index_cast %add3A_527 : i32 to index
          %swap3A_546 = arith.constant 16 : index
          %swap3A_547 = tpu.vector_load %arg12[%swap3A_545, %swap3A_546] {strides = array<i32>} : memref<256x32xf32, #tpu.memory_space<vmem>>, vector<1x16xf32>,
          %swap3A_548 = vector.shape_cast %swap3A_547 : vector<1x16xf32> to vector<16xf32>
          %swap3A_549 = vector.shape_cast %mul3A_544 : vector<16xf32> to vector<1x16xf32>
          tpu.vector_store %arg12[%swap3A_545, %swap3A_546], %swap3A_549 {strides = array<i32>} : memref<256x32xf32, #tpu.memory_space<vmem>>, vector<1x16xf32>,
          %slice3A_550 = vector.extract_strided_slice %get3A_132 {offsets = [15], sizes = [1], strides = [1]} : vector<16xf32> to vector<1xf32>
          %squeeze3A_551 = vector.extract %slice3A_550[0] : f32 from vector<1xf32>
          %mul3A_552 = arith.constant 16 : i32
          %mul3A_553 = arith.muli %scan3A_126, %mul3A_552 : i32
          %add3A_554 = arith.constant 15 : i32
          %add3A_555 = arith.addi %mul3A_553, %add3A_554 : i32
          %get3A_556 = arith.index_cast %add3A_555 : i32 to index
          %get3A_557 = arith.constant 0 : index
          %get3A_558 = tpu.vector_load %arg12[%get3A_556, %get3A_557] {strides = array<i32>} : memref<256x32xf32, #tpu.memory_space<vmem>>, vector<1x16xf32>,
          %get3A_559 = vector.shape_cast %get3A_558 : vector<1x16xf32> to vector<16xf32>
          %mul3A_560 = vector.broadcast %squeeze3A_551 : f32 to vector<16xf32>
          %mul3A_561 = arith.mulf %get3A_559, %mul3A_560 : vector<16xf32>
          %swap3A_562 = arith.index_cast %add3A_555 : i32 to index
          %swap3A_563 = arith.constant 0 : index
          %swap3A_564 = tpu.vector_load %arg12[%swap3A_562, %swap3A_563] {strides = array<i32>} : memref<256x32xf32, #tpu.memory_space<vmem>>, vector<1x16xf32>,
          %swap3A_565 = vector.shape_cast %swap3A_564 : vector<1x16xf32> to vector<16xf32>
          %swap3A_566 = vector.shape_cast %mul3A_561 : vector<16xf32> to vector<1x16xf32>
          tpu.vector_store %arg12[%swap3A_562, %swap3A_563], %swap3A_566 {strides = array<i32>} : memref<256x32xf32, #tpu.memory_space<vmem>>, vector<1x16xf32>,
          %get3A_567 = arith.index_cast %add3A_555 : i32 to index
          %get3A_568 = arith.constant 16 : index
          %get3A_569 = tpu.vector_load %arg12[%get3A_567, %get3A_568] {strides = array<i32>} : memref<256x32xf32, #tpu.memory_space<vmem>>, vector<1x16xf32>,
          %get3A_570 = vector.shape_cast %get3A_569 : vector<1x16xf32> to vector<16xf32>
          %mul3A_571 = vector.broadcast %squeeze3A_551 : f32 to vector<16xf32>
          %mul3A_572 = arith.mulf %get3A_570, %mul3A_571 : vector<16xf32>
          %swap3A_573 = arith.index_cast %add3A_555 : i32 to index
          %swap3A_574 = arith.constant 16 : index
          %swap3A_575 = tpu.vector_load %arg12[%swap3A_573, %swap3A_574] {strides = array<i32>} : memref<256x32xf32, #tpu.memory_space<vmem>>, vector<1x16xf32>,
          %swap3A_576 = vector.shape_cast %swap3A_575 : vector<1x16xf32> to vector<16xf32>
          %swap3A_577 = vector.shape_cast %mul3A_572 : vector<16xf32> to vector<1x16xf32>
          tpu.vector_store %arg12[%swap3A_573, %swap3A_574], %swap3A_577 {strides = array<i32>} : memref<256x32xf32, #tpu.memory_space<vmem>>, vector<1x16xf32>,
          %scan3A_578 = arith.constant 0 : i32
          scf.yield %scan3A_578 : i32
        }
        %scan3A_118 = arith.constant 16 : i32
        %dma_start3A_119 = arith.constant 0 : i32
        %dma_start3A_120 = tpu.memref_slice %arg9[%add3A_98, %dma_start3A_119] : memref<14x256xi32, #tpu.memory_space<vmem>> -> memref<1x256xi32, #tpu.memory_space<vmem>>
        %dma_start3A_121 = tpu.memref_squeeze %dma_start3A_120 : memref<1x256xi32, #tpu.memory_space<vmem>> -> memref<256xi32, #tpu.memory_space<vmem>>
        %dma_start3A_122 = arith.constant 0 : i32
        %dma_start3A_123 = arith.constant 0 : i32
        %dma_start3A_124 = tpu.memref_slice %arg13[%dma_start3A_122, %dma_start3A_123] : memref<50176x32xf32, #tpu.memory_space<vmem_shared>> -> memref<50176x32xf32, #tpu.memory_space<vmem_shared>>
        tpu.enqueue_indirect_dma source(%arg12 : memref<256x32xf32, #tpu.memory_space<vmem>>) target(%dma_start3A_124 : memref<50176x32xf32, #tpu.memory_space<vmem_shared>>) offsets(%dma_start3A_121 : memref<256xi32, #tpu.memory_space<vmem>>) semaphore(%arg17 : memref<!tpu.dma_semaphore, #tpu.memory_space<semaphore_mem>>) {add = true}
        %scan3A_125 = arith.constant 0 : i32
        scf.yield %scan3A_125 : i32
      }
      %scan3A_49 = arith.constant 7 : i32
      %dma_wait3A = arith.constant 0 : i32
      %dma_wait3A_50 = arith.constant 0 : i32
      %dma_wait3A_51 = tpu.memref_slice %arg9[%dma_wait3A, %dma_wait3A_50] : memref<14x256xi32, #tpu.memory_space<vmem>> -> memref<1x256xi32, #tpu.memory_space<vmem>>
      %dma_wait3A_52 = tpu.memref_squeeze %dma_wait3A_51 : memref<1x256xi32, #tpu.memory_space<vmem>> -> memref<256xi32, #tpu.memory_space<vmem>>
      %dma_wait3A_53 = arith.constant 0 : i32
      %dma_wait3A_54 = arith.constant 0 : i32
      %dma_wait3A_55 = tpu.memref_slice %arg13[%dma_wait3A_53, %dma_wait3A_54] : memref<50176x32xf32, #tpu.memory_space<vmem_shared>> -> memref<50176x32xf32, #tpu.memory_space<vmem_shared>>
      tpu.wait_indirect_dma semaphore(%arg16 : memref<!tpu.dma_semaphore, #tpu.memory_space<semaphore_mem>>) src(%arg11 : memref<256x32xf32, #tpu.memory_space<vmem>>) dst(%dma_wait3A_55 : memref<50176x32xf32, #tpu.memory_space<vmem_shared>>)
      %dma_wait3A_56 = arith.constant 0 : i32
      %dma_wait3A_57 = arith.constant 0 : i32
      %dma_wait3A_58 = tpu.memref_slice %arg9[%dma_wait3A_56, %dma_wait3A_57] : memref<14x256xi32, #tpu.memory_space<vmem>> -> memref<1x256xi32, #tpu.memory_space<vmem>>
      %dma_wait3A_59 = tpu.memref_squeeze %dma_wait3A_58 : memref<1x256xi32, #tpu.memory_space<vmem>> -> memref<256xi32, #tpu.memory_space<vmem>>
      %dma_wait3A_60 = arith.constant 0 : i32
      %dma_wait3A_61 = arith.constant 0 : i32
      %dma_wait3A_62 = tpu.memref_slice %arg13[%dma_wait3A_60, %dma_wait3A_61] : memref<50176x32xf32, #tpu.memory_space<vmem_shared>> -> memref<50176x32xf32, #tpu.memory_space<vmem_shared>>
      tpu.wait_indirect_dma semaphore(%arg17 : memref<!tpu.dma_semaphore, #tpu.memory_space<semaphore_mem>>) src(%arg12 : memref<256x32xf32, #tpu.memory_space<vmem>>) dst(%dma_wait3A_62 : memref<50176x32xf32, #tpu.memory_space<vmem_shared>>)
      %scan3A_63 = arith.constant 0 : i32
      scf.yield %scan3A_63 : i32
    }
    %scan3A_21 = arith.constant 14 : i32
    %barrier3A_22 = arith.constant 0 : index
    tpu.barrier barrier_id(%barrier3A_22)
    %mul3A_23 = arith.constant 3136 : i32
    %mul3A_24 = arith.muli %arg1, %mul3A_23 : i32
    %eq3A = arith.constant 0 : i32
    %eq3A_25 = arith.cmpi eq, %arg0, %eq3A : i32
    %convert_element_type3A = arith.extui %eq3A_25 : i1 to i32
    %cond3A = arith.constant 0 : i32
    %cond3A_26 = arith.cmpi ne, %convert_element_type3A, %cond3A : i32
    scf.if %cond3A_26 {
      "tpu.region"() ({
        %run_scoped3A = tpu.sem_alloc : memref<!tpu.dma_semaphore, #tpu.memory_space<semaphore_mem>>
        %dma_start3A = arith.constant 0 : i32
        %dma_start3A_32 = tpu.memref_slice %arg6[%mul3A_24, %dma_start3A] : memref<50176x32xf32, #tpu.memory_space<hbm>> -> memref<3136x32xf32, #tpu.memory_space<hbm>>
        %dma_start3A_33 = arith.constant 0 : i32
        %dma_start3A_34 = tpu.memref_slice %arg13[%mul3A_24, %dma_start3A_33] : memref<50176x32xf32, #tpu.memory_space<vmem_shared>> -> memref<3136x32xf32, #tpu.memory_space<vmem_shared>>
        tpu.enqueue_dma source(%dma_start3A_34 : memref<3136x32xf32, #tpu.memory_space<vmem_shared>>) target(%dma_start3A_32 : memref<3136x32xf32, #tpu.memory_space<hbm>>) target_semaphore(%run_scoped3A : memref<!tpu.dma_semaphore, #tpu.memory_space<semaphore_mem>>)
        %dma_wait3A = arith.constant 0 : i32
        %dma_wait3A_35 = tpu.memref_slice %arg6[%mul3A_24, %dma_wait3A] : memref<50176x32xf32, #tpu.memory_space<hbm>> -> memref<3136x32xf32, #tpu.memory_space<hbm>>
        %dma_wait3A_36 = arith.constant 0 : i32
        %dma_wait3A_37 = tpu.memref_slice %arg13[%mul3A_24, %dma_wait3A_36] : memref<50176x32xf32, #tpu.memory_space<vmem_shared>> -> memref<3136x32xf32, #tpu.memory_space<vmem_shared>>
        tpu.wait_dma2 semaphore(%run_scoped3A : memref<!tpu.dma_semaphore, #tpu.memory_space<semaphore_mem>>) src(%dma_wait3A_37 : memref<3136x32xf32, #tpu.memory_space<vmem_shared>>) dst(%dma_wait3A_35 : memref<3136x32xf32, #tpu.memory_space<hbm>>)
        tpu.yield
      }) : () -> ()
    } else {
    }
    %eq3A_27 = arith.constant 1 : i32
    %eq3A_28 = arith.cmpi eq, %arg0, %eq3A_27 : i32
    %convert_element_type3A_29 = arith.extui %eq3A_28 : i1 to i32
    %cond3A_30 = arith.constant 0 : i32
    %cond3A_31 = arith.cmpi ne, %convert_element_type3A_29, %cond3A_30 : i32
    scf.if %cond3A_31 {
      "tpu.region"() ({
        %run_scoped3A = tpu.sem_alloc : memref<!tpu.dma_semaphore, #tpu.memory_space<semaphore_mem>>
        %dma_start3A = arith.constant 0 : i32
        %dma_start3A_32 = tpu.memref_slice %arg7[%mul3A_24, %dma_start3A] : memref<50176x32xf32, #tpu.memory_space<hbm>> -> memref<3136x32xf32, #tpu.memory_space<hbm>>
        %dma_start3A_33 = arith.constant 0 : i32
        %dma_start3A_34 = tpu.memref_slice %arg13[%mul3A_24, %dma_start3A_33] : memref<50176x32xf32, #tpu.memory_space<vmem_shared>> -> memref<3136x32xf32, #tpu.memory_space<vmem_shared>>
        tpu.enqueue_dma source(%dma_start3A_34 : memref<3136x32xf32, #tpu.memory_space<vmem_shared>>) target(%dma_start3A_32 : memref<3136x32xf32, #tpu.memory_space<hbm>>) target_semaphore(%run_scoped3A : memref<!tpu.dma_semaphore, #tpu.memory_space<semaphore_mem>>)
        %dma_wait3A = arith.constant 0 : i32
        %dma_wait3A_35 = tpu.memref_slice %arg7[%mul3A_24, %dma_wait3A] : memref<50176x32xf32, #tpu.memory_space<hbm>> -> memref<3136x32xf32, #tpu.memory_space<hbm>>
        %dma_wait3A_36 = arith.constant 0 : i32
        %dma_wait3A_37 = tpu.memref_slice %arg13[%mul3A_24, %dma_wait3A_36] : memref<50176x32xf32, #tpu.memory_space<vmem_shared>> -> memref<3136x32xf32, #tpu.memory_space<vmem_shared>>
        tpu.wait_dma2 semaphore(%run_scoped3A : memref<!tpu.dma_semaphore, #tpu.memory_space<semaphore_mem>>) src(%dma_wait3A_37 : memref<3136x32xf32, #tpu.memory_space<vmem_shared>>) dst(%dma_wait3A_35 : memref<3136x32xf32, #tpu.memory_space<hbm>>)
        tpu.yield
      }) : () -> ()
    } else {
    }
    return
  }
}

</mosaic_0001>

<sc_bundles>
// kernel: _sc_edge_call.3.cloned.1.call-start
scs
__scs_entry_jumppad:
0x0: {  	(pc) =	sbr.rel $0x88, $3  }
0x1: {  	(tag) =	ssettag $0x0;
	lr =	simm.s32 $0x1  }
0x2: {  	[smem:$0x3F9D] =	sst lr;
	_ =	strace $0xD0000000  }
0x3: {  	_ = 	snop  }
0x4: {  	_ = 	snop  }
0x5: {  	_ = 	snop  }
0x6: {  	_ = 	snop  }
0x7: {  	_ = 	snop  }
__scs_overlays_trampoline_lowered:
0x8: {  	[smem:$0x3FAC] =	sst s0  }
0x9: {  	[smem:$0x3FAD] =	sst s1  }
0xa: {  	[smem:$0x3FAE] =	sst s2  }
0xb: {  	[smem:$0x3FAF] =	sst s3  }
0xc: {  	[smem:$0x3FB0] =	sst s4  }
0xd: {  	[smem:$0x3FB1] =	sst s5  }
0xe: {  	[smem:$0x3FB2] =	sst s6  }
0xf: {  	[smem:$0x3FB3] =	sst s7  }
0x10: {  	[smem:$0x3FB4] =	sst s8  }
0x11: {  	[smem:$0x3FB5] =	sst s9;
	s0 =	simm.s32 @!p0 $0x0  }
0x12: {  	s1 =	sld [smem:$0x3F9B];
	s0 =	simm.s32 @p0 $0x1  }
0x13: {  	[smem:$0x3FB6] =	sst s0;
	s0 =	simm.s32 @!p1 $0x0  }
0x14: {  	s2 =	sld [smem:$0x3F9A];
	s0 =	simm.s32 @p1 $0x1  }
0x15: {  	[smem:$0x3FB7] =	sst s0;
	s0 =	simm.s32 @!p2 $0x0  }
0x16: {  	s3 =	sld [smem:$0x3FDB];
	s0 =	simm.s32 @p2 $0x1  }
0x17: {  	s4 =	simm.s32 $0x1BF5;
	[smem:$0x3FB9] =	sst s0  }
0x18: {  	s0 =	sld [smem:$0x3F9C];
	_ =	swait.ge [sflag:s4], $0x0  }
0x19: {  	s7 =	sld [smem:$0x3F9D]  }
0x1a: {  	s8 =	sadd.s32 $0xFFFFE003, lr  }
0x1b: {  	s9 =	sadd.s32 $0xFFFFFEF7, lr;
	s5 =	simm.s32 $0xFFFFFFFF;
	p2 =	slt.u32 s8, $0xFFFFF086  }
0x1c: {  	p1 =	slt.u32 s9, $0xF7A;
	s5 =	simm.s32 @!p2 $0x0  }
0x1d: {  	s5 =	simm.s32 @p1 $0x1;
	p0 =	seq.s32 s7, s2  }
0x1e: {  	s7 =	smul.u32 @!p0 $0xF7A, s2;
	p2 =	seq.s32 @!p0 s5, $0x0  }
0x1f: {  	s9 =	smul.u32 $0xF7A, s1;
	s8 =	simm.s32 @!p0 $0x1BF5;
	p2 =	por !p2, p0  }
0x20: {  	[sflag:s8] =	ssyncset.s32 @!p0 $0xFFFFF086;
	s6 =	sadd.s32 @!p0 s3, s7;
	s7 =	simm.s32 @!p0 $0x108  }
0x21: {  	s3 =	sadd.s32 s3, s9;
	s6 =	sadd.s32 @!p0 $0x88, s6;
	s7 =	simm.s32 @p2 $0x1082  }
0x22: {  	[simem:s7], [sflag:s8] =	dma.local @!p0 [hbm:s6], $0xF7A  }
0x23: {  	s9 =	sor.u32 $0xD0000000, s2;
	s6 =	simm.s32 $0x108;
	_ =	swait.ge @!p0 [sflag:s8], $0x0  }
0x24: {  	s3 =	sadd.s32 $0x88, s3;
	s6 =	simm.s32 @!p1 $0x1082;
	[sflag:s4] =	ssyncset.s32 $0xFFFFF086  }
0x25: {  	[simem:s6], [sflag:s4] =	dma.local [hbm:s3], $0xF7A  }
0x26: {  	[smem:$0x3F9D] =	sst s1;
	(tag) =	ssettag s2;
	_ =	strace s9  }
0x27: {  	s1 =	sld [smem:$0x3FAD]  }
0x28: {  	s2 =	sld [smem:$0x3FAE]  }
0x29: {  	s4 =	sld [smem:$0x3FB0]  }
0x2a: {  	p0 =	seq.s32 s5, $0x0;
	s5 =	sld [smem:$0x3FB1]  }
0x2b: {  	s6 =	sld [smem:$0x3FB2]  }
0x2c: {  	s7 =	sld [smem:$0x3FB3]  }
0x2d: {  	s3 =	simm.s32 $0x108;
	s8 =	sld [smem:$0x3FB4]  }
0x2e: {  	s3 =	simm.s32 @!p0 $0x1082;
	s9 =	sld [smem:$0x3FB5]  }
0x2f: {  	lr =	sadd.s32 s0, s3;
	s0 =	sld [smem:$0x3FAC]  }
0x30: {  	s3 =	sld [smem:$0x3FAF]  }
0x31: {  	[smem:$0x3FB8] =	sst s10  }
0x32: {  	s10 =	sld [smem:$0x3FB6];
	_ =	sdelay $0x3  }
0x33: {  	p0 =	seq.s32 s10, $0x1;
	s10 =	sld [smem:$0x3FB8];
	_ =	sdelay $0x3  }
0x34: {  	[smem:$0x3FB8] =	sst s10  }
0x35: {  	s10 =	sld [smem:$0x3FB7];
	_ =	sdelay $0x3  }
0x36: {  	p1 =	seq.s32 s10, $0x1;
	s10 =	sld [smem:$0x3FB8];
	_ =	sdelay $0x3  }
0x37: {  	[smem:$0x3FB8] =	sst s10  }
0x38: {  	s10 =	sld [smem:$0x3FB9]  }
0x39: {  	_ = 	snop;
	(pc) =	sbr.ind lr, $3  }
0x3a: {  	_ = 	snop  }
0x3b: {  	_ = 	snop  }
0x3c: {  	p2 =	seq.s32 s10, $0x1;
	s10 =	sld [smem:$0x3FB8]  }
0x3d: {  	_ =	shalt  }
0x3e: {  	_ =	shalt  }
0x3f: {  	_ =	shalt  }
0x40: {  	_ =	shalt  }
0x41: {  	_ =	shalt  }
0x42: {  	_ =	shalt  }
0x43: {  	_ =	shalt  }
0x44: {  	_ =	shalt  }
0x45: {  	_ =	shalt  }
0x46: {  	_ =	shalt  }
0x47: {  	_ =	shalt  }
0x48: {  	_ =	shalt  }
0x49: {  	_ =	shalt  }
0x4a: {  	_ =	shalt  }
0x4b: {  	_ =	shalt  }
0x4c: {  	_ =	shalt  }
0x4d: {  	_ =	shalt  }
0x4e: {  	_ =	shalt  }
0x4f: {  	_ =	shalt  }
0x50: {  	_ =	shalt  }
0x51: {  	_ =	shalt  }
0x52: {  	_ =	shalt  }
0x53: {  	_ =	shalt  }
0x54: {  	_ =	shalt  }
0x55: {  	_ =	shalt  }
0x56: {  	_ =	shalt  }
0x57: {  	_ =	shalt  }
0x58: {  	_ =	shalt  }
0x59: {  	_ =	shalt  }
0x5a: {  	_ =	shalt  }
0x5b: {  	_ =	shalt  }
0x5c: {  	_ =	shalt  }
0x5d: {  	_ =	shalt  }
0x5e: {  	_ =	shalt  }
0x5f: {  	_ =	shalt  }
0x60: {  	_ =	shalt  }
0x61: {  	_ =	shalt  }
0x62: {  	_ =	shalt  }
0x63: {  	_ =	shalt  }
0x64: {  	_ =	shalt  }
0x65: {  	_ =	shalt  }
0x66: {  	_ =	shalt  }
0x67: {  	_ =	shalt  }
0x68: {  	_ =	shalt  }
0x69: {  	_ =	shalt  }
0x6a: {  	_ =	shalt  }
0x6b: {  	_ =	shalt  }
0x6c: {  	_ =	shalt  }
0x6d: {  	_ =	shalt  }
0x6e: {  	_ =	shalt  }
0x6f: {  	_ =	shalt  }
0x70: {  	_ =	shalt  }
0x71: {  	_ =	shalt  }
0x72: {  	_ =	shalt  }
0x73: {  	_ =	shalt  }
0x74: {  	_ =	shalt  }
0x75: {  	_ =	shalt  }
0x76: {  	_ =	shalt  }
0x77: {  	_ =	shalt  }
0x78: {  	_ =	shalt  }
0x79: {  	_ =	shalt  }
0x7a: {  	_ =	shalt  }
0x7b: {  	_ =	shalt  }
0x7c: {  	_ =	shalt  }
0x7d: {  	_ =	shalt  }
0x7e: {  	_ =	shalt  }
0x7f: {  	_ =	shalt  }
0x80: {  	_ =	shalt  }
0x81: {  	_ =	shalt  }
0x82: {  	_ =	shalt  }
0x83: {  	_ =	shalt  }
0x84: {  	_ =	shalt  }
0x85: {  	_ =	shalt  }
0x86: {  	_ =	shalt  }
0x87: {  	_ =	shalt  }
.Lfunc_end0:
.L_simem_size_0:
called_computation_lowered:
.L_overlay_start_0:
0x88: {  	s2 =	sld [smem:$0x3FD9]  }
0x89: {  	s3 =	sld [smem:$0x3FFE];
	_ =	sdelay $0x1  }
0x8a: {  	s1 =	srdreg.scid  }
0x8b: {  	s0 =	sand.u32 $0x1, s1  }
0x8c: {  	s14 =	sshll.u32 s0, $0xA;
	s2 =	sadd.s32 s3, s2  }
0x8d: {  	s2 =	sadd.s32 s2, s14  }
0x8e: {  	[smem:$0x3FC4] =	sst s2  }
0x8f: {  	_ = 	snop  }
0x90: {  	s2 =	sld [smem:$0x3FD0];
	_ =	sdelay $0x2  }
0x91: {  	s15 =	simm.s32 $0xA;
	s4 =	simm.s32 $0x10  }
0x92: {  	[smem:s4], [sflag:s15] =	dma.local [hbm:s2], $0x1  }
0x93: {  	_ =	swait.eq [sflag:s15], $0x1  }
0x94: {  	[sflag:s15] =	ssyncset.done $0x0  }
0x95: {  	s16 =	sld [smem:$0x10];
	[sflag:s15] =	ssyncadd.s32 $0xFFFFFFFF  }
0x96: {  	s17 =	sld [smem:$0x11];
	(tm) =	ssettm $0x1  }
0x97: {  	s18 =	sld [smem:$0x3FFB];
	_ =	sdelay $0x3  }
0x98: {  	_ =	strace s18  }
0x99: {  	s4 =	sld [smem:$0x3FFC];
	_ =	sdelay $0x3  }
0x9a: {  	_ =	strace s4  }
0x9b: {  	s4 =	sld [smem:$0x3FFD];
	_ =	sdelay $0x3  }
0x9c: {  	_ =	strace s4  }
0x9d: {  	_ =	strace $0x8FFFFFFF  }
0x9e: {  	s19 =	sld [smem:$0x3FDB];
	_ =	sdelay $0x1  }
0x9f: {  	s5 =	simm.s32 $_scs_section_size  }
0xa0: {  	s6 =	simm.s32 $_size__tile_overlayer_lowered;
	s7 =	simm.s32 $_tile_overlayer_lowered  }
0xa1: {  	s22 =	simm.s32 $0x1BFF;
	s21 =	sshll.u32 s7, $0x1;
	s4 =	sadd.s32 s5, s19  }
0xa2: {  	s8 =	simm.s32 $0x0;
	s20 =	sshll.u32 s6, $0x1;
	s6 =	sadd.s32 s21, s4  }
0xa3: {  	[timem:s8], [sflag:s22] =	dma.local [hbm:s6], s20  }
0xa4: {  	_ =	swait.ge [sflag:s22], s20  }
0xa5: {  	s5 =	ssub.s32 $0x0, s20;
	[sflag:s22] =	ssyncset.done $0x0  }
0xa6: {  	[sflag:s22] =	ssyncadd.s32 s5;
	_ =	sdelay $0x1  }
0xa7: {  	s23 =	simm.s32 $0x1B8B  }
0xa8: {  	_ =	swait.ge [sflag:s23], $0x1  }
0xa9: {  	[sflag:s23] =	ssyncset.done $0x0  }
0xaa: {  	s25 =	simm.s32 $0x1B8E;
	s24 =	sld [smem:$0x3FFE];
	[sflag:s23] =	ssyncadd.s32 $0xFFFFFFFF  }
0xab: {  	s26 =	simm.s32 $execute0_lowered;
	[smem:$0x3FD2] =	sst s25  }
0xac: {  	s6 =	sshll.u32 s26, $0x1;
	_ =	strace $0x80000046;
	[dreg:$0x1] =	wrdreg $0xFFFFFFFF  }
0xad: {  	s28 =	simm.s32 $_size_execute0_lowered;
	s4 =	sadd.s32 s4, s6;
	[dreg:$0x0] =	wrdreg $0x0  }
0xae: {  	s6 =	sshll.u32 s28, $0x1;
	[dreg:$0x2] =	wrdreg s4  }
0xaf: {  	[dreg:$0x3] =	wrdreg s6  }
0xb0: {  	[dreg:$0x4] =	wrdreg $0xC0  }
0xb1: {  	_ =	task [dreg:s8], $0x5FFFF  }
0xb2: {  	[dreg:$0x1] =	wrdreg $0xFFFFFFFF  }
0xb3: {  	[dreg:$0x0] =	wrdreg $0x60  }
0xb4: {  	[dreg:$0x2] =	wrdreg s17  }
0xb5: {  	[dreg:$0x3] =	wrdreg s16  }
0xb6: {  	[dreg:$0x4] =	wrdreg s24  }
0xb7: {  	[dreg:$0x5] =	wrdreg $0x6A000  }
0xb8: {  	[dreg:$0x6] =	wrdreg $0x9  }
0xb9: {  	_ =	task.clear_ibuf [dreg:s8], $0x7FFFF;
	_ =	strace $0x90000046  }
0xba: {  	s29 =	simm.s32 $0x9;
	_ =	strace $0x80000048  }
0xbb: {  	_ =	swait.ge [sflag:s29], $0x1  }
0xbc: {  	[sflag:s29] =	ssyncadd.s32 $0xFFFFFFFF  }
0xbd: {  	_ =	strace $0x90000048  }
0xbe: {  	_ =	sfence  }
0xbf: {  	s30 =	sld [smem:$0x0];
	_ =	sdelay $0x2  }
0xc0: {  	s31 =	sshll.u32 s1, $0xD;
	s1 =	sshrl.u32 s1, $0x2  }
0xc1: {  	s3 =	sand.u32 $0x4000, s31;
	s1 =	sadd.s32 s1, s30  }
0xc2: {  	s0 =	sor.u32 s3, s0;
	s1 =	sshll.u32 s1, $0x11  }
0xc3: {  	s0 =	sor.u32 s1, s0  }
0xc4: {  	s0 =	sadd.s32 $0x8F2B, s0  }
0xc5: {  	[sflag:s0] =	ssyncadd.remote.s32 $0x1  }
0xc6: {  	_ =	sfence.sel $0xFFFF  }
0xc7: {  	[dreg:$0x0] =	wrdreg $0xFFFFFFFF;
	(pc) =	sbr.abs _section_cstart, $3  }
0xc8: {  	[dreg:$0x1] =	wrdreg $0xFFFFFFFF  }
0xc9: {  	_ =	task.clear_ibuf [dreg:s8], $0x2FFFF;
	_ =	strace $0x9FFFFFFF  }
0xca: {  	(tm) =	ssettm $0x7FFFFFFF  }
0xcb: {  	_ =	shalt  }
tec
execute0_lowered:
.L_overlay_start_1:
0x0: {  	(tag) =	ssettag $0x1  }
0x1: {  	s1 =	rddreg [dreg:$0x0]  }
0x2: {  	s2 =	rddreg [dreg:$0x1]  }
0x3: {  	s0 =	rddreg [dreg:$0x2]  }
0x4: {  	s3 =	rddreg [dreg:$0x3];
	s4 =	srdreg.scid  }
0x5: {  	s5 =	simm.s32 $0x0;
	s11 =	stileid.u32;
	s13 =	simm.s32 $0x5  }
0x6: {  	s14 =	simm.s32 $0xE00;
	s15 =	simm.s32 $0x100;
	s16 =	simm.s32 $0x1  }
0x7: {  	s17 =	simm.s32 $0x4A00;
	s18 =	simm.s32 $0x2;
	s19 =	simm.s32 $0x3  }
0x8: {  	s20 =	simm.s32 $0x4;
	s22 =	simm.s32 $0x0;
	s4 =	sand.u32 $0x1, s4  }
0x9: {  	[smem:$0x7FF] =	sst s5;
	s8 =	sadd.s32 $0x1C00, s0;
	s30 =	smul.u32 $0x18800, s11  }
0xa: {  	s6 =	sshll.u32 s4, $0x4;
	_ =	strace $0x80000047;
	s9 =	ssub.s32 $0x2, s4  }
0xb: {  	p0 =	seq.s32 s4, $0x1;
	s4 =	simm.s32 $0x94A00;
	s7 =	sor.u32 s11, s6  }
0xc: {  	s6 =	sadd.s32 $0x32A00, s0;
	s10 =	sshrl.u32 s9, $0x1;
	s11 =	smul.u32 $0x62000, s11  }
0xd: {  	s12 =	sshrl.u32 s30, $0x3;
	s21 =	sadd.s32 s30, s3;
	s4 =	simm.s32 @!p0 $0x63A00  }
0xe: {  	s7 =	smul.u32 $0xE, s7;
	s9 =	ssub.s32 s9, s10;
	s0 =	sadd.s32 s4, s0  }
0xf: {  	s21 =	sshrl.u32 s21, $0x3;
	s9 =	smax.u32 s9, $0x1;
	s31 =	sshrl.u32 s11, $0x2  }
0x10: {  	v0 =	vimm.f32 $0.0e+00;
	s10 =	sadd.s32 s0, s12;
	s12 =	simm.s32 $0x2A00;
	s11 =	sadd.s32 s31, s3  }
.LBB2_1:
0x11: {  	s0 =	simm.s32 $0x0  }
.LBB2_2:
0x12: {  	p0 =	sne.s32 s0, $0x3780  }
.Ltmp0:
0x13: {  	_ = 	snop;
	(pc) =	sbr.rel @p0 .LBB2_2-.Ltmp0, $4  }
0x14: {  	_ = 	snop  }
0x15: {  	s4 =	sshra.s32 s0, $0x2  }
0x16: {  	[tilespmem:s4+$0x2A00] =	vst v0  }
0x17: {  	s0 =	sadd.s32 $0x80, s0;
	[tilespmem:s4+$0x2A10] =	vst v0  }
0x18: {  	s0 =	sadd.s32 $0x0, s11  }
0x19: {  	[spmem:s0] =	stream.linear.scatter [tilespmem:s12], [sflag:$0x5], $0xE00, $0x38;
	[tilespmem:$0x1F200] =	vst v63  }
0x1a: {  	s0 =	simm.s32 $0x3800;
	_ =	swait.ge [sflag:s13], $0xE00  }
.LBB2_4:
0x1b: {  	s4 =	sshra.s32 s0, $0x2;
	[sflag:s13] =	ssyncset.done $0x0;
	p0 =	sne.s32 s0, $0x5E800  }
.Ltmp1:
0x1c: {  	s4 =	sadd.s32 s4, s11;
	[sflag:s13] =	ssyncadd.s32 $0xFFFFF200;
	(pc) =	sbr.rel @p0 .LBB2_4-.Ltmp1, $3  }
0x1d: {  	[spmem:s4] =	stream.linear.scatter [tilespmem:s12], [sflag:$0x5], $0xE00, $0x38;
	[tilespmem:$0x1F200] =	vst v63  }
0x1e: {  	s0 =	sadd.s32 $0x3800, s0;
	_ =	sdelay $0x1  }
0x1f: {  	_ =	swait.ge [sflag:s13], $0xE00  }
0x20: {  	[sflag:s13] =	ssyncset.done $0x0  }
0x21: {  	[sflag:s13] =	ssyncadd.s32 $0xFFFFF200  }
0x22: {  	s23 =	simm.s32 $0x0;
	[bflag:$0x0] =	sbarrier.arrive $0xFFFF  }
.LBB2_6:
0x23: {  	s0 =	sadd.s32 s7, s23  }
0x24: {  	s0 =	smul.u32 $0x1C0, s0;
	_ =	sdelay $0x1  }
0x25: {  	s4 =	sadd.s32 s1, s0  }
0x26: {  	[tilespmem:s22], [sflag:$0x5] =	stream.linear.gather [hbm4b:s4+s22], $0xE00, $0x38;
	[tilespmem:$0x1F200] =	vst v63  }
0x27: {  	_ =	swait.ge [sflag:s13], $0xE00  }
0x28: {  	[sflag:s13] =	ssyncset.done $0x0  }
0x29: {  	s31 =	sadd.s32 s2, s0;
	[sflag:s13] =	ssyncadd.s32 $0xFFFFF200  }
0x2a: {  	[tilespmem:s14], [sflag:$0x5] =	stream.linear.gather [hbm4b:s31+s22], $0xE00, $0x38;
	[tilespmem:$0x1F200] =	vst v63  }
0x2b: {  	_ =	swait.ge [sflag:s13], $0xE00  }
0x2c: {  	[sflag:s13] =	ssyncset.done $0x0  }
0x2d: {  	s24 =	simm.s32 $0x1C00;
	s0 =	sadd.s32 s6, s0;
	[sflag:s13] =	ssyncadd.s32 $0xFFFFF200  }
0x2e: {  	[tilespmem:s24], [sflag:$0x5] =	stream.linear.gather [hbm4b:s0+s22], $0xE00, $0x38;
	[tilespmem:$0x1F200] =	vst v63  }
0x2f: {  	_ =	swait.ge [sflag:s13], $0xE00  }
0x30: {  	[sflag:s13] =	ssyncset.done $0x0  }
0x31: {  	s25 =	simm.s32 $0x1D00;
	s26 =	simm.s32 $0x0;
	[sflag:s13] =	ssyncadd.s32 $0xFFFFF200  }
0x32: {  	[tilespmem:s12], [sflag:$0x1] =	stream.indirect.gather [hbm4b:s8+s15], $0x20, s22, s15, $0xb8;
	[tilespmem:$0x1F200] =	vst v63  }
.LBB2_7:
0x33: {  	_ =	swait.ge [sflag:s16], $0x2000  }
0x34: {  	p0 =	seq.s32 s26, $0x0;
	[sflag:s16] =	ssyncset.done $0x0  }
0x35: {  	s0 =	simm.s32 @!p0 $0x4;
	[sflag:s16] =	ssyncadd.s32 $0xFFFFE000  }
0x36: {  	s29 =	sshll.u32 s26, $0xB;
	_ =	swait.ge @!p0 [sflag:s0], $0x2000  }
0x37: {  	s4 =	sor.u32 $0x400, s29;
	[sflag:s0] =	ssyncset.done @!p0 $0x0  }
0x38: {  	s30 =	simm.s32 $0x2B00;
	s28 =	sshrl.u32 s4, $0x2;
	[sflag:s0] =	ssyncadd.s32 @!p0 $0xFFFFE000  }
0x39: {  	[tilespmem:s17], [sflag:$0x2] =	stream.indirect.gather [hbm4b:s8+s15], $0x20, s28, s15, $0xb8;
	[tilespmem:$0x1F200] =	vst v63  }
0x3a: {  	v7 =	vld [tilespmem:s30+$0xFFFFFFA0]  }
0x3b: {  	v4 =	vld [tilespmem:s30+$0xFFFFFFF0]  }
0x3c: {  	v1 =	vld [tilespmem:s30+$0xFFFFFF60]  }
0x3d: {  	v5 =	vmov s24;
	v8 =	vld [tilespmem:s30+$0xFFFFFFD0]  }
0x3e: {  	v9 =	vld [tilespmem:s30+$0x80]  }
0x3f: {  	v12 =	vld [tilespmem:s30+$0xFFFFFF10]  }
0x40: {  	v16 =	vld [tilespmem:s30+$0xE0]  }
0x41: {  	s4 =	simm.s32 $0x0;
	v11 =	vld [tilespmem:s30+$0xFFFFFF40]  }
0x42: {  	v2 =	vld.idx.msk [tilespmem:v5+s4+$0x0 ss:$0x1], $0xffff  }
0x43: {  	v3 =	vld [tilespmem:s30+$0xFFFFFF90]  }
0x44: {  	v10 =	vld [tilespmem:s30+$0xFFFFFFC0]  }
0x45: {  	v13 =	vld [tilespmem:s30+$0xFFFFFF00]  }
0x46: {  	v14 =	vld [tilespmem:s30+$0xD0]  }
0x47: {  	v23 =	vld [tilespmem:s30+$0xC0]  }
0x48: {  	v21 =	vld [tilespmem:s30+$0x90];
	v19 =	vbroadcast v2, $0x0;
	v6 =	vbroadcast v2, $0xF  }
0x49: {  	v22 =	vld [tilespmem:s30+$0xFFFFFF50];
	v20 =	vbroadcast v2, $0x2;
	v18 =	vbroadcast v2, $0xE  }
0x4a: {  	v17 =	vld [tilespmem:s30+$0xB0];
	v15 =	vbroadcast v2, $0xC;
	v25 =	vmul.f32 v19, v13  }
0x4b: {  	s31 =	simm.s32 $0x40;
	s0 =	simm.s32 $0x2B00;
	v13 =	vbroadcast v2, $0xD;
	v24 =	vmul.f32 v11, v20;
	v11 =	vld [tilespmem:s30+$0x60]  }
.LBB2_8:
0x4c: {  	p0 =	sne.s32 s31, $0x3C0  }
0x4d: {  	[tilespmem:s30+$0xFFFFFF00] =	vst v25;
	v25 =	vld [tilespmem:s30+$0xFFFFFFB0];
	v23 =	vmul.f32 v23, v18;
	v16 =	vmul.f32 v16, v6;
	s0 =	sadd.s32 $0x200, s0;
	s4 =	smov.u32 s31;
	s31 =	sadd.s32 $0x40, s31  }
0x4e: {  	[tilespmem:s30+$0xFFFFFF40] =	vst v24;
	v24 =	vbroadcast v2, $0xA;
	v21 =	vmul.f32 v21, v15;
	v26 =	vld [tilespmem:s30+$0xA0]  }
0x4f: {  	v12 =	vmul.f32 v12, v19;
	v19 =	vmul.f32 v22, v20;
	v20 =	vld [tilespmem:s30+$0x70];
	[tilespmem:s30+$0xE0] =	vst v16  }
0x50: {  	v16 =	vbroadcast v2, $0x5;
	v22 =	vld [tilespmem:s30+$0xFFFFFFE0];
	v17 =	vmul.f32 v17, v13;
	[tilespmem:s30+$0xC0] =	vst v23  }
0x51: {  	v14 =	vmul.f32 v14, v18;
	[tilespmem:s30+$0xFFFFFF10] =	vst v12;
	v12 =	vbroadcast v2, $0x6;
	v23 =	vld [tilespmem:s30+$0x40]  }
0x52: {  	v27 =	vbroadcast v2, $0xB;
	v7 =	vmul.f32 v7, v16;
	v18 =	vld [tilespmem:s30+$0xFFFFFF20];
	[tilespmem:s30+$0x90] =	vst v21  }
0x53: {  	v21 =	vbroadcast v2, $0x9;
	[tilespmem:s30+$0xFFFFFF50] =	vst v19;
	v19 =	vld [tilespmem:s30+$0x20];
	v13 =	vmul.f32 v26, v13  }
0x54: {  	v16 =	vmul.f32 v25, v16;
	v25 =	vld [tilespmem:s30+$0x50];
	v20 =	vmul.f32 v20, v27;
	[tilespmem:s30+$0xD0] =	vst v14  }
0x55: {  	v9 =	vmul.f32 v9, v15;
	v14 =	vbroadcast v2, $0x7;
	v26 =	vld [tilespmem:s30+$0x30];
	[tilespmem:s30+$0xA0] =	vst v13  }
0x56: {  	v10 =	vmul.f32 v10, v12;
	v13 =	vbroadcast v2, $0x3;
	v15 =	vld [tilespmem:s30+$0x0];
	[tilespmem:s30+$0x70] =	vst v20  }
0x57: {  	v11 =	vmul.f32 v11, v27;
	v8 =	vmul.f32 v8, v12;
	v12 =	vld [tilespmem:s30+$0x10];
	[tilespmem:s30+$0x80] =	vst v9  }
0x58: {  	v20 =	vbroadcast v2, $0x8;
	v23 =	vmul.f32 v23, v24;
	v9 =	vld [tilespmem:s30+$0xFFFFFF30];
	[tilespmem:s30+$0xB0] =	vst v17  }
0x59: {  	v17 =	vbroadcast v2, $0x1;
	v27 =	vld [tilespmem:s30+$0xFFFFFF70];
	[tilespmem:s30+$0xFFFFFFD0] =	vst v8;
	v24 =	vmul.f32 v25, v24  }
0x5a: {  	v4 =	vmul.f32 v4, v14;
	v8 =	vmul.f32 v22, v14;
	[tilespmem:s30+$0xFFFFFFC0] =	vst v10;
	v10 =	vld [tilespmem:s30+$0xF0]  }
0x5b: {  	v22 =	vmul.f32 v26, v21;
	v14 =	vld [tilespmem:s30+$0xFFFFFF80];
	[tilespmem:s30+$0xFFFFFFA0] =	vst v7;
	v15 =	vmul.f32 v15, v20  }
0x5c: {  	v7 =	vld [tilespmem:s0+$0xFFFFFFA0];
	[tilespmem:s30+$0xFFFFFFF0] =	vst v4;
	v20 =	vmul.f32 v12, v20;
	v12 =	vmul.f32 v19, v21  }
0x5d: {  	v4 =	vmul.f32 v18, v17;
	v17 =	vmul.f32 v9, v17;
	[tilespmem:s30+$0x60] =	vst v11  }
0x5e: {  	v1 =	vmul.f32 v1, v13;
	v9 =	vmul.f32 v27, v13;
	[tilespmem:s30+$0xFFFFFFB0] =	vst v16  }
0x5f: {  	v2 =	vbroadcast v2, $0x4;
	[tilespmem:s30+$0xFFFFFF20] =	vst v4;
	v4 =	vmul.f32 v10, v6  }
0x60: {  	[tilespmem:s30+$0xFFFFFF60] =	vst v1  }
0x61: {  	v6 =	vmul.f32 v14, v2;
	v1 =	vmul.f32 v3, v2;
	[tilespmem:s30+$0x40] =	vst v23  }
0x62: {  	[tilespmem:s30+$0xFFFFFFE0] =	vst v8  }
0x63: {  	[tilespmem:s30+$0xF0] =	vst v4  }
0x64: {  	[tilespmem:s30+$0xFFFFFF90] =	vst v1  }
0x65: {  	[tilespmem:s30+$0xFFFFFF70] =	vst v9  }
0x66: {  	v4 =	vld [tilespmem:s0+$0xFFFFFFF0];
	[tilespmem:s30+$0x20] =	vst v12  }
0x67: {  	v1 =	vld [tilespmem:s0+$0xFFFFFF60];
	[tilespmem:s30+$0x30] =	vst v22  }
0x68: {  	v8 =	vld [tilespmem:s0+$0xFFFFFFD0];
	[tilespmem:s30+$0xFFFFFF80] =	vst v6  }
0x69: {  	v9 =	vld [tilespmem:s0+$0x80];
	[tilespmem:s30+$0x50] =	vst v24  }
0x6a: {  	v12 =	vld [tilespmem:s0+$0xFFFFFF10];
	[tilespmem:s30+$0x0] =	vst v15  }
0x6b: {  	v16 =	vld [tilespmem:s0+$0xE0];
	[tilespmem:s30+$0xFFFFFF30] =	vst v17  }
0x6c: {  	s4 =	sshra.s32 s4, $0x2;
	v11 =	vld [tilespmem:s0+$0xFFFFFF40];
	[tilespmem:s30+$0x10] =	vst v20;
	s30 =	smov.u32 s0  }
0x6d: {  	v2 =	vld.idx.msk [tilespmem:v5+s4+$0x0 ss:$0x1], $0xffff  }
0x6e: {  	v3 =	vld [tilespmem:s0+$0xFFFFFF90]  }
0x6f: {  	v10 =	vld [tilespmem:s0+$0xFFFFFFC0]  }
0x70: {  	v13 =	vld [tilespmem:s0+$0xFFFFFF00]  }
0x71: {  	v14 =	vld [tilespmem:s0+$0xD0]  }
.Ltmp2:
0x72: {  	v23 =	vld [tilespmem:s0+$0xC0];
	(pc) =	sbr.rel @p0 .LBB2_8-.Ltmp2, $4  }
0x73: {  	v19 =	vbroadcast v2, $0x0;
	v6 =	vbroadcast v2, $0xF;
	v21 =	vld [tilespmem:s0+$0x90]  }
0x74: {  	v20 =	vbroadcast v2, $0x2;
	v18 =	vbroadcast v2, $0xE;
	v22 =	vld [tilespmem:s0+$0xFFFFFF50]  }
0x75: {  	v25 =	vmul.f32 v19, v13;
	v13 =	vbroadcast v2, $0xD;
	v17 =	vld [tilespmem:s0+$0xB0]  }
0x76: {  	v15 =	vbroadcast v2, $0xC;
	v24 =	vmul.f32 v11, v20;
	v11 =	vld [tilespmem:s0+$0x60]  }
0x77: {  	[tilespmem:s30+$0xFFFFFF00] =	vst v25;
	v5 =	vmul.f32 v16, v6  }
0x78: {  	v16 =	vmul.f32 v23, v18;
	[tilespmem:s30+$0xFFFFFF40] =	vst v24  }
0x79: {  	v12 =	vmul.f32 v12, v19;
	[tilespmem:s30+$0xE0] =	vst v5  }
0x7a: {  	v23 =	vld [tilespmem:s30+$0xA0];
	v9 =	vmul.f32 v9, v15;
	[tilespmem:s30+$0xC0] =	vst v16  }
0x7b: {  	v19 =	vld [tilespmem:s30+$0x70];
	v5 =	vmul.f32 v21, v15;
	v20 =	vmul.f32 v22, v20;
	[tilespmem:s30+$0xFFFFFF10] =	vst v12  }
0x7c: {  	v12 =	vmul.f32 v14, v18;
	v18 =	vbroadcast v2, $0xB;
	[tilespmem:s30+$0x80] =	vst v9  }
0x7d: {  	[tilespmem:s30+$0x90] =	vst v5  }
0x7e: {  	[tilespmem:s30+$0xFFFFFF50] =	vst v20;
	v11 =	vmul.f32 v11, v18  }
0x7f: {  	[tilespmem:s30+$0xD0] =	vst v12;
	v20 =	vmul.f32 v23, v13  }
0x80: {  	v9 =	vbroadcast v2, $0x7;
	v19 =	vmul.f32 v19, v18;
	[tilespmem:s30+$0x60] =	vst v11  }
0x81: {  	v14 =	vld [tilespmem:s30+$0xFFFFFF20];
	v12 =	vbroadcast v2, $0x6;
	v13 =	vmul.f32 v17, v13;
	[tilespmem:s30+$0xA0] =	vst v20  }
0x82: {  	v16 =	vld [tilespmem:s30+$0xFFFFFFB0];
	v4 =	vmul.f32 v4, v9;
	[tilespmem:s30+$0x70] =	vst v19  }
0x83: {  	v5 =	vld [tilespmem:s30+$0xFFFFFFE0];
	v17 =	vbroadcast v2, $0x5;
	v8 =	vmul.f32 v8, v12;
	[tilespmem:s30+$0xB0] =	vst v13  }
0x84: {  	v18 =	vbroadcast v2, $0x1;
	v10 =	vmul.f32 v10, v12;
	[tilespmem:s30+$0xFFFFFFF0] =	vst v4  }
0x85: {  	v21 =	vld [tilespmem:s30+$0x40];
	v7 =	vmul.f32 v7, v17;
	[tilespmem:s30+$0xFFFFFFD0] =	vst v8  }
0x86: {  	v14 =	vmul.f32 v14, v18;
	[tilespmem:s30+$0xFFFFFFC0] =	vst v10  }
0x87: {  	v13 =	vld [tilespmem:s30+$0xFFFFFF70];
	[tilespmem:s30+$0xFFFFFFA0] =	vst v7;
	v7 =	vmul.f32 v16, v17;
	v16 =	vbroadcast v2, $0x3  }
0x88: {  	v4 =	vbroadcast v2, $0xA;
	v17 =	vld [tilespmem:s30+$0xF0];
	[tilespmem:s30+$0xFFFFFF20] =	vst v14;
	v5 =	vmul.f32 v5, v9  }
0x89: {  	v8 =	vld [tilespmem:s30+$0xFFFFFF80];
	v9 =	vbroadcast v2, $0x4;
	v1 =	vmul.f32 v1, v16;
	[tilespmem:s30+$0xFFFFFFB0] =	vst v7  }
0x8a: {  	v15 =	vld [tilespmem:s30+$0x20];
	v7 =	vmul.f32 v21, v4;
	[tilespmem:s30+$0xFFFFFFE0] =	vst v5  }
0x8b: {  	v19 =	vld [tilespmem:s30+$0x30];
	v3 =	vmul.f32 v3, v9;
	[tilespmem:s30+$0xFFFFFF60] =	vst v1  }
0x8c: {  	v22 =	vld [tilespmem:s30+$0x50];
	v5 =	vmul.f32 v13, v16;
	[tilespmem:s30+$0x40] =	vst v7  }
0x8d: {  	v12 =	vld [tilespmem:s30+$0x0];
	[tilespmem:s30+$0xFFFFFF90] =	vst v3;
	v1 =	vmul.f32 v17, v6;
	v6 =	vbroadcast v2, $0x9  }
0x8e: {  	v11 =	vld [tilespmem:s30+$0xFFFFFF30];
	[tilespmem:s30+$0xFFFFFF70] =	vst v5;
	v5 =	vmul.f32 v8, v9  }
0x8f: {  	v10 =	vld [tilespmem:s30+$0x10];
	[tilespmem:s30+$0xF0] =	vst v1;
	v1 =	vmul.f32 v15, v6  }
0x90: {  	v2 =	vbroadcast v2, $0x8;
	v3 =	vmul.f32 v19, v6;
	[tilespmem:s30+$0xFFFFFF80] =	vst v5  }
0x91: {  	[tilespmem:s30+$0x20] =	vst v1;
	v1 =	vmul.f32 v22, v4  }
0x92: {  	[tilespmem:s30+$0x30] =	vst v3;
	v3 =	vmul.f32 v12, v2  }
0x93: {  	v4 =	vmul.f32 v11, v18;
	[tilespmem:s30+$0x50] =	vst v1  }
0x94: {  	v1 =	vmul.f32 v10, v2;
	[tilespmem:s30+$0x0] =	vst v3  }
0x95: {  	s0 =	sshrl.u32 s29, $0x2;
	[tilespmem:s30+$0xFFFFFF30] =	vst v4  }
0x96: {  	s0 =	sadd.s32 $0xE00, s0;
	[tilespmem:s30+$0x10] =	vst v1  }
0x97: {  	[spmem:s3] =	stream.indirect.scatter.add.f32 [tilespmem:s12], [sflag:$0x3], $0x20, s0, s15, $0xb8;
	[tilespmem:$0x1F200] =	vst v63  }
0x98: {  	_ =	swait.ge [sflag:s18], $0x2000  }
0x99: {  	p0 =	seq.s32 s26, $0x6;
	[sflag:s18] =	ssyncset.done $0x0  }
0x9a: {  	s0 =	simm.s32 @!p0 $0x3;
	[sflag:s18] =	ssyncadd.s32 $0xFFFFE000  }
0x9b: {  	_ =	swait.ge @!p0 [sflag:s0], $0x2000  }
0x9c: {  	[sflag:s0] =	ssyncset.done @!p0 $0x0  }
0x9d: {  	[sflag:s0] =	ssyncadd.s32 @!p0 $0xFFFFE000;
	s0 =	sshrl.u32 @!p0 s29, $0x2  }
0x9e: {  	s4 =	simm.s32 @!p0 $0x100;
	s29 =	simm.s32 @!p0 $0x2A00;
	s0 =	sadd.s32 @!p0 $0x200, s0  }
0x9f: {  	[tilespmem:s29], [sflag:$0x1] =	stream.indirect.gather @!p0 [hbm4b:s8+s4], $0x20, s0, s4, $0xb8;
	[tilespmem:$0x1F200] =	vst v63  }
0xa0: {  	s29 =	simm.s32 $0x4B00  }
0xa1: {  	v7 =	vld [tilespmem:s29+$0xFFFFFFA0]  }
0xa2: {  	v4 =	vld [tilespmem:s29+$0xFFFFFFF0]  }
0xa3: {  	v1 =	vld [tilespmem:s29+$0xFFFFFF60]  }
0xa4: {  	v5 =	vmov s25;
	v8 =	vld [tilespmem:s29+$0xFFFFFFD0]  }
0xa5: {  	v9 =	vld [tilespmem:s29+$0x80]  }
0xa6: {  	v12 =	vld [tilespmem:s29+$0xFFFFFF10]  }
0xa7: {  	v16 =	vld [tilespmem:s29+$0xE0]  }
0xa8: {  	s31 =	simm.s32 $0x0;
	v11 =	vld [tilespmem:s29+$0xFFFFFF40]  }
0xa9: {  	v2 =	vld.idx.msk [tilespmem:v5+s31+$0x0 ss:$0x1], $0xffff  }
0xaa: {  	v3 =	vld [tilespmem:s29+$0xFFFFFF90]  }
0xab: {  	v10 =	vld [tilespmem:s29+$0xFFFFFFC0]  }
0xac: {  	v13 =	vld [tilespmem:s29+$0xFFFFFF00]  }
0xad: {  	v14 =	vld [tilespmem:s29+$0xD0]  }
0xae: {  	v23 =	vld [tilespmem:s29+$0xC0]  }
0xaf: {  	v21 =	vld [tilespmem:s29+$0x90];
	v19 =	vbroadcast v2, $0x0;
	v6 =	vbroadcast v2, $0xF  }
0xb0: {  	v22 =	vld [tilespmem:s29+$0xFFFFFF50];
	v20 =	vbroadcast v2, $0x2;
	v18 =	vbroadcast v2, $0xE  }
0xb1: {  	v17 =	vld [tilespmem:s29+$0xB0];
	v15 =	vbroadcast v2, $0xC;
	v25 =	vmul.f32 v19, v13  }
0xb2: {  	s30 =	simm.s32 $0x40;
	s0 =	simm.s32 $0x4B00;
	v13 =	vbroadcast v2, $0xD;
	v24 =	vmul.f32 v11, v20;
	v11 =	vld [tilespmem:s29+$0x60]  }
.LBB2_10:
0xb3: {  	p0 =	sne.s32 s30, $0x3C0  }
0xb4: {  	[tilespmem:s29+$0xFFFFFF00] =	vst v25;
	v25 =	vld [tilespmem:s29+$0xFFFFFFB0];
	v23 =	vmul.f32 v23, v18;
	v16 =	vmul.f32 v16, v6;
	s0 =	sadd.s32 $0x200, s0;
	s4 =	smov.u32 s30;
	s30 =	sadd.s32 $0x40, s30  }
0xb5: {  	[tilespmem:s29+$0xFFFFFF40] =	vst v24;
	v24 =	vbroadcast v2, $0xA;
	v21 =	vmul.f32 v21, v15;
	v26 =	vld [tilespmem:s29+$0xA0]  }
0xb6: {  	v12 =	vmul.f32 v12, v19;
	v19 =	vmul.f32 v22, v20;
	v20 =	vld [tilespmem:s29+$0x70];
	[tilespmem:s29+$0xE0] =	vst v16  }
0xb7: {  	v16 =	vbroadcast v2, $0x5;
	v22 =	vld [tilespmem:s29+$0xFFFFFFE0];
	v17 =	vmul.f32 v17, v13;
	[tilespmem:s29+$0xC0] =	vst v23  }
0xb8: {  	v14 =	vmul.f32 v14, v18;
	[tilespmem:s29+$0xFFFFFF10] =	vst v12;
	v12 =	vbroadcast v2, $0x6;
	v23 =	vld [tilespmem:s29+$0x40]  }
0xb9: {  	v27 =	vbroadcast v2, $0xB;
	v7 =	vmul.f32 v7, v16;
	v18 =	vld [tilespmem:s29+$0xFFFFFF20];
	[tilespmem:s29+$0x90] =	vst v21  }
0xba: {  	v21 =	vbroadcast v2, $0x9;
	[tilespmem:s29+$0xFFFFFF50] =	vst v19;
	v19 =	vld [tilespmem:s29+$0x20];
	v13 =	vmul.f32 v26, v13  }
0xbb: {  	v16 =	vmul.f32 v25, v16;
	v25 =	vld [tilespmem:s29+$0x50];
	v20 =	vmul.f32 v20, v27;
	[tilespmem:s29+$0xD0] =	vst v14  }
0xbc: {  	v9 =	vmul.f32 v9, v15;
	v14 =	vbroadcast v2, $0x7;
	v26 =	vld [tilespmem:s29+$0x30];
	[tilespmem:s29+$0xA0] =	vst v13  }
0xbd: {  	v10 =	vmul.f32 v10, v12;
	v13 =	vbroadcast v2, $0x3;
	v15 =	vld [tilespmem:s29+$0x0];
	[tilespmem:s29+$0x70] =	vst v20  }
0xbe: {  	v11 =	vmul.f32 v11, v27;
	v8 =	vmul.f32 v8, v12;
	v12 =	vld [tilespmem:s29+$0x10];
	[tilespmem:s29+$0x80] =	vst v9  }
0xbf: {  	v20 =	vbroadcast v2, $0x8;
	v23 =	vmul.f32 v23, v24;
	v9 =	vld [tilespmem:s29+$0xFFFFFF30];
	[tilespmem:s29+$0xB0] =	vst v17  }
0xc0: {  	v17 =	vbroadcast v2, $0x1;
	v27 =	vld [tilespmem:s29+$0xFFFFFF70];
	[tilespmem:s29+$0xFFFFFFD0] =	vst v8;
	v24 =	vmul.f32 v25, v24  }
0xc1: {  	v4 =	vmul.f32 v4, v14;
	v8 =	vmul.f32 v22, v14;
	[tilespmem:s29+$0xFFFFFFC0] =	vst v10;
	v10 =	vld [tilespmem:s29+$0xF0]  }
0xc2: {  	v22 =	vmul.f32 v26, v21;
	v14 =	vld [tilespmem:s29+$0xFFFFFF80];
	[tilespmem:s29+$0xFFFFFFA0] =	vst v7;
	v15 =	vmul.f32 v15, v20  }
0xc3: {  	v7 =	vld [tilespmem:s0+$0xFFFFFFA0];
	[tilespmem:s29+$0xFFFFFFF0] =	vst v4;
	v20 =	vmul.f32 v12, v20;
	v12 =	vmul.f32 v19, v21  }
0xc4: {  	v4 =	vmul.f32 v18, v17;
	v17 =	vmul.f32 v9, v17;
	[tilespmem:s29+$0x60] =	vst v11  }
0xc5: {  	v1 =	vmul.f32 v1, v13;
	v9 =	vmul.f32 v27, v13;
	[tilespmem:s29+$0xFFFFFFB0] =	vst v16  }
0xc6: {  	v2 =	vbroadcast v2, $0x4;
	[tilespmem:s29+$0xFFFFFF20] =	vst v4;
	v4 =	vmul.f32 v10, v6  }
0xc7: {  	[tilespmem:s29+$0xFFFFFF60] =	vst v1  }
0xc8: {  	v6 =	vmul.f32 v14, v2;
	v1 =	vmul.f32 v3, v2;
	[tilespmem:s29+$0x40] =	vst v23  }
0xc9: {  	[tilespmem:s29+$0xFFFFFFE0] =	vst v8  }
0xca: {  	[tilespmem:s29+$0xF0] =	vst v4  }
0xcb: {  	[tilespmem:s29+$0xFFFFFF90] =	vst v1  }
0xcc: {  	[tilespmem:s29+$0xFFFFFF70] =	vst v9  }
0xcd: {  	v4 =	vld [tilespmem:s0+$0xFFFFFFF0];
	[tilespmem:s29+$0x20] =	vst v12  }
0xce: {  	v1 =	vld [tilespmem:s0+$0xFFFFFF60];
	[tilespmem:s29+$0x30] =	vst v22  }
0xcf: {  	v8 =	vld [tilespmem:s0+$0xFFFFFFD0];
	[tilespmem:s29+$0xFFFFFF80] =	vst v6  }
0xd0: {  	v9 =	vld [tilespmem:s0+$0x80];
	[tilespmem:s29+$0x50] =	vst v24  }
0xd1: {  	v12 =	vld [tilespmem:s0+$0xFFFFFF10];
	[tilespmem:s29+$0x0] =	vst v15  }
0xd2: {  	v16 =	vld [tilespmem:s0+$0xE0];
	[tilespmem:s29+$0xFFFFFF30] =	vst v17  }
0xd3: {  	s4 =	sshra.s32 s4, $0x2;
	v11 =	vld [tilespmem:s0+$0xFFFFFF40];
	[tilespmem:s29+$0x10] =	vst v20;
	s29 =	smov.u32 s0  }
0xd4: {  	v2 =	vld.idx.msk [tilespmem:v5+s4+$0x0 ss:$0x1], $0xffff  }
0xd5: {  	v3 =	vld [tilespmem:s0+$0xFFFFFF90]  }
0xd6: {  	v10 =	vld [tilespmem:s0+$0xFFFFFFC0]  }
0xd7: {  	v13 =	vld [tilespmem:s0+$0xFFFFFF00]  }
0xd8: {  	v14 =	vld [tilespmem:s0+$0xD0]  }
.Ltmp3:
0xd9: {  	v23 =	vld [tilespmem:s0+$0xC0];
	(pc) =	sbr.rel @p0 .LBB2_10-.Ltmp3, $4  }
0xda: {  	v19 =	vbroadcast v2, $0x0;
	v6 =	vbroadcast v2, $0xF;
	v21 =	vld [tilespmem:s0+$0x90]  }
0xdb: {  	v20 =	vbroadcast v2, $0x2;
	v18 =	vbroadcast v2, $0xE;
	v22 =	vld [tilespmem:s0+$0xFFFFFF50]  }
0xdc: {  	v25 =	vmul.f32 v19, v13;
	v13 =	vbroadcast v2, $0xD;
	v17 =	vld [tilespmem:s0+$0xB0]  }
0xdd: {  	v15 =	vbroadcast v2, $0xC;
	v24 =	vmul.f32 v11, v20;
	v11 =	vld [tilespmem:s0+$0x60]  }
0xde: {  	[tilespmem:s29+$0xFFFFFF00] =	vst v25;
	v5 =	vmul.f32 v16, v6  }
0xdf: {  	v30 =	vmul.f32 v23, v18;
	[tilespmem:s29+$0xFFFFFF40] =	vst v24  }
0xe0: {  	v12 =	vmul.f32 v12, v19;
	[tilespmem:s29+$0xE0] =	vst v5  }
0xe1: {  	v35 =	vmul.f32 v14, v18;
	[tilespmem:s29+$0xC0] =	vst v30  }
0xe2: {  	v33 =	vmul.f32 v21, v15;
	[tilespmem:s29+$0xFFFFFF10] =	vst v12  }
0xe3: {  	v41 =	vbroadcast v2, $0x6;
	v9 =	vmul.f32 v9, v15;
	[tilespmem:s29+$0xD0] =	vst v35  }
0xe4: {  	v20 =	vmul.f32 v22, v20;
	[tilespmem:s29+$0x90] =	vst v33  }
0xe5: {  	v45 =	vbroadcast v2, $0x5;
	v8 =	vmul.f32 v8, v41;
	[tilespmem:s29+$0x80] =	vst v9  }
0xe6: {  	v47 =	vbroadcast v2, $0x7;
	v10 =	vmul.f32 v10, v41;
	[tilespmem:s29+$0xFFFFFF50] =	vst v20  }
0xe7: {  	v54 =	vbroadcast v2, $0x3;
	v7 =	vmul.f32 v7, v45;
	[tilespmem:s29+$0xFFFFFFD0] =	vst v8  }
0xe8: {  	v31 =	vld [tilespmem:s29+$0xA0];
	v59 =	vbroadcast v2, $0x4;
	v4 =	vmul.f32 v4, v47;
	[tilespmem:s29+$0xFFFFFFC0] =	vst v10  }
0xe9: {  	v32 =	vld [tilespmem:s29+$0x70];
	v1 =	vmul.f32 v1, v54;
	[tilespmem:s29+$0xFFFFFFA0] =	vst v7  }
0xea: {  	v34 =	vld [tilespmem:s29+$0xFFFFFFB0];
	v37 =	vbroadcast v2, $0xB;
	v3 =	vmul.f32 v3, v59;
	[tilespmem:s29+$0xFFFFFFF0] =	vst v4  }
0xeb: {  	v36 =	vld [tilespmem:s29+$0xFFFFFF20];
	v43 =	vmul.f32 v17, v13;
	[tilespmem:s29+$0xFFFFFF60] =	vst v1  }
0xec: {  	v40 =	vld [tilespmem:s29+$0x40];
	v11 =	vmul.f32 v11, v37;
	[tilespmem:s29+$0xFFFFFF90] =	vst v3  }
0xed: {  	v38 =	vld [tilespmem:s29+$0xFFFFFFE0];
	v39 =	vmul.f32 v31, v13;
	[tilespmem:s29+$0xB0] =	vst v43  }
0xee: {  	v52 =	vbroadcast v2, $0x1;
	v55 =	vld [tilespmem:s29+$0xF0];
	v19 =	vmul.f32 v32, v37;
	[tilespmem:s29+$0x60] =	vst v11  }
0xef: {  	v49 =	vld [tilespmem:s29+$0xFFFFFF70];
	v56 =	vbroadcast v2, $0xA;
	v53 =	vmul.f32 v34, v45;
	[tilespmem:s29+$0xA0] =	vst v39  }
0xf0: {  	v46 =	vld [tilespmem:s29+$0x30];
	v14 =	vmul.f32 v36, v52;
	[tilespmem:s29+$0x70] =	vst v19  }
0xf1: {  	v50 =	vld [tilespmem:s29+$0xFFFFFF80];
	v58 =	vmul.f32 v40, v56;
	[tilespmem:s29+$0xFFFFFFB0] =	vst v53  }
0xf2: {  	v44 =	vld [tilespmem:s29+$0x20];
	v5 =	vmul.f32 v38, v47;
	[tilespmem:s29+$0xFFFFFF20] =	vst v14  }
0xf3: {  	v57 =	vld [tilespmem:s29+$0xFFFFFF30];
	v60 =	vbroadcast v2, $0x9;
	v1 =	vmul.f32 v55, v6;
	[tilespmem:s29+$0x40] =	vst v58  }
0xf4: {  	v42 =	vld [tilespmem:s29+$0x50];
	v61 =	vmul.f32 v49, v54;
	[tilespmem:s29+$0xFFFFFFE0] =	vst v5  }
0xf5: {  	v48 =	vld [tilespmem:s29+$0x0];
	v3 =	vmul.f32 v46, v60;
	[tilespmem:s29+$0xF0] =	vst v1  }
0xf6: {  	v51 =	vld [tilespmem:s29+$0x10];
	v62 =	vmul.f32 v50, v59;
	[tilespmem:s29+$0xFFFFFF70] =	vst v61  }
0xf7: {  	v1 =	vmul.f32 v44, v60;
	[tilespmem:s29+$0x30] =	vst v3  }
0xf8: {  	v2 =	vbroadcast v2, $0x8;
	s26 =	sadd.s32 $0x1, s26;
	v63 =	vmul.f32 v57, v52;
	[tilespmem:s29+$0xFFFFFF80] =	vst v62  }
0xf9: {  	p0 =	sne.s32 s26, $0x7;
	[tilespmem:s29+$0x20] =	vst v1;
	v1 =	vmul.f32 v42, v56  }
.Ltmp4:
0xfa: {  	v3 =	vmul.f32 v48, v2;
	[tilespmem:s29+$0xFFFFFF30] =	vst v63;
	(pc) =	sbr.rel @p0 .LBB2_7-.Ltmp4, $4  }
0xfb: {  	[tilespmem:s29+$0x50] =	vst v1;
	v1 =	vmul.f32 v51, v2  }
0xfc: {  	[tilespmem:s29+$0x0] =	vst v3  }
0xfd: {  	s0 =	sadd.s32 $0xE00, s28;
	s24 =	sadd.s32 $0x200, s24;
	s25 =	sadd.s32 $0x200, s25;
	[tilespmem:s29+$0x10] =	vst v1  }
0xfe: {  	[spmem:s3] =	stream.indirect.scatter.add.f32 [tilespmem:s17], [sflag:$0x4], $0x20, s0, s15, $0xb8;
	[tilespmem:$0x1F200] =	vst v63  }
0xff: {  	s23 =	sadd.s32 $0x1, s23  }
0x100: {  	_ =	swait.ge [sflag:s19], $0x2000;
	p0 =	sne.s32 s23, $0xE  }
.Ltmp5:
0x101: {  	[sflag:s19] =	ssyncset.done $0x0;
	(pc) =	sbr.rel @p0 .LBB2_6-.Ltmp5, $4  }
0x102: {  	[sflag:s19] =	ssyncadd.s32 $0xFFFFE000  }
0x103: {  	_ =	swait.ge [sflag:s20], $0x2000  }
0x104: {  	[sflag:s20] =	ssyncset.done $0x0  }
0x105: {  	[sflag:s20] =	ssyncadd.s32 $0xFFFFE000  }
0x106: {  	s0 =	stileid.u32;
	s5 =	sadd.s32 $0x1, s5  }
0x107: {  	s0 =	sshll.u32 s0, $0x6;
	p0 =	sne.s32 s5, s9  }
.Ltmp6:
0x108: {  	[bflag:$0x0] =	sbarrier.arrive $0xFFFF;
	s0 =	sor.u32 $0x1C05, s0;
	(pc) =	sbr.rel @p0 .LBB2_1-.Ltmp6, $4  }
0x109: {  	[hbm:s10], [sflag:s0] =	dma.local [spmem:s21], $0x3100  }
0x10a: {  	_ =	swait.ge [sflag:s13], $0x3100  }
0x10b: {  	[sflag:s13] =	ssyncset.done $0x0  }
0x10c: {  	[sflag:s13] =	ssyncadd.s32 $0xFFFFCF00  }
0x10d: {  	_ =	sfence.sel $0x180000  }
0x10e: {  	[bflag:$0x0] =	sbarrier.arrive $0xFFFF  }
0x10f: {  	_ =	strace $0x90000047  }
0x110: {  	s0 =	stileid.u32;
	[bflag:$0x2] =	sbarrier.arrive $0xFFFF  }
0x111: {  	p0 =	sne.s32 s0, $0x0;
	s0 =	rddreg [dreg:$0x4]  }
0x112: {  	s0 =	sadd.s32 @!p0 $0x100000, s0  }
0x113: {  	[sflag:s0] =	ssyncadd.tile.s32 @!p0 $0x1;
	_ =	shalt  }
.Lfunc_end2:
_tile_overlayer_lowered:
.L_overlay_start_2:
0x114: {  	(tag) =	ssettag $0x2  }
0x115: {  	s0 =	rddreg [dreg:$0x0];
	s2 =	stileid.u32  }
0x116: {  	s1 =	rddreg [dreg:$0x1];
	p0 =	sne.s32 s2, $0x0  }
0x117: {  	s3 =	rddreg [dreg:$0x2];
	[bflag:$0x3] =	sbarrier.arrive $0xFFFF;
	s2 =	simm.s32 @!p0 $0x1C05  }
0x118: {  	[timem:s3], [sflag:s2] =	dma.local @!p0 [hbm:s0], s1  }
0x119: {  	s0 =	simm.s32 @!p0 $0x5  }
0x11a: {  	_ =	swait.ge @!p0 [sflag:s0], s1  }
0x11b: {  	s1 =	ssub.s32 @!p0 $0x0, s1;
	[sflag:s0] =	ssyncset.done @!p0 $0x0  }
0x11c: {  	[sflag:s0] =	ssyncadd.s32 @!p0 s1  }
0x11d: {  	[bflag:$0x3] =	sbarrier.arrive $0xFFFF  }
0x11e: {  	_ =	shalt  }

</sc_bundles>
